<compile_context>
chip_gen: v7x
topology: tpu7x:2x2x1
jax: 0.10.2.dev20260603
libtpu: 0.0.44.dev20260713+nightly
codegen_flags: <defaults>
</compile_context>

<pallas_src>
import functools
import jax
import jax.numpy as jnp
from jax import lax
from jax.experimental import pallas as pl
from jax.experimental.pallas import tpu as pltpu
from jax.experimental.pallas import tpu_sc as plsc

B = 16384
F = 26
V = 1000
D = 128

NC, NS, L = 2, 16, 16
FPC = F // NC
BPW = B // NS
CH = 32
NBC = BPW // CH
NCH = FPC * NBC
NBUF = 6
LAG = 3

_mesh = plsc.VectorSubcoreMesh(core_axis_name="c", subcore_axis_name="s")


@functools.partial(
    pl.kernel,
    mesh=_mesh,
    out_type=jax.ShapeDtypeStruct((B, F * D), jnp.float32),
    scratch_types=[
        pltpu.VMEM_SHARED((FPC * V, D), jnp.float32),
        pltpu.VMEM((2 * BPW,), jnp.int32),
        pltpu.VMEM((NBUF, CH, D), jnp.float32),
        pltpu.SemaphoreType.DMA((2,)),
        pltpu.SemaphoreType.DMA((NBUF,)),
        pltpu.SemaphoreType.DMA((NBUF,)),
    ],
)
def _gather_kernel(xf_hbm, tab_hbm, out_hbm, tab_sp, ix, buf, isem, gsem, ssem):
    core = lax.axis_index("c")
    sub = lax.axis_index("s")
    b0 = sub * BPW
    f0 = core * FPC

    def i_args(fl):
        par = fl % 2
        return (xf_hbm.at[pl.ds((f0 + fl) * B + b0, BPW)],
                ix.at[pl.ds(pl.multiple_of(par * BPW, 8), BPW)],
                isem.at[par])

    def i_start(fl):
        pltpu.async_copy(*i_args(fl))

    def i_wait(fl):
        pltpu.make_async_copy(*i_args(fl)).wait()

    def gather_args(c):
        fl, bc, s = c // NBC, c % NBC, c % NBUF
        tab_f = tab_sp.at[pl.ds(pl.multiple_of(fl * V, 8), V)]
        idx = ix.at[pl.ds((fl % 2) * BPW + bc * CH, CH)]
        return (tab_f.at[idx], buf.at[s], gsem.at[s])

    def scatter_args(c):
        fl, bc, s = c // NBC, c % NBC, c % NBUF
        return (buf.at[s],
                out_hbm.at[pl.ds(b0 + bc * CH, CH), pl.ds((f0 + fl) * D, D)],
                ssem.at[s])

    def g_start(c):
        pltpu.async_copy(*gather_args(c))

    def g_wait(c):
        pltpu.make_async_copy(*gather_args(c)).wait()

    def s_start(c):
        pltpu.async_copy(*scatter_args(c))

    def s_wait(c):
        pltpu.make_async_copy(*scatter_args(c)).wait()

    i_start(0)

    @pl.when(sub < FPC)
    def _stage_tables():
        pltpu.sync_copy(
            tab_hbm.at[pl.ds(pl.multiple_of((f0 + sub) * V, 8), V)],
            tab_sp.at[pl.ds(pl.multiple_of(sub * V, 8), V)])

    plsc.subcore_barrier()

    i_wait(0)
    i_start(1)

    for c in range(LAG):
        g_start(c)
    for c in range(LAG, NBUF):
        g_wait(c - LAG)
        s_start(c - LAG)
        g_start(c)

    def body(t, _):
        for j in range(2):
            c = 2 * t + j
            fl, bc = c // NBC, c % NBC
            g_wait(c - LAG)
            s_start(c - LAG)

            @pl.when((bc == 2) & (fl >= 1) & (fl < FPC - 1))
            def _prefetch_next_field():
                i_start(fl + 1)

            @pl.when((bc == 0) & (fl >= 1))
            def _consume_field():
                i_wait(fl)

            s_wait(c - NBUF)
            g_start(c)
        return 0

    lax.fori_loop(NBUF // 2, NCH // 2, body, 0)

    for c in range(NCH - LAG, NCH):
        g_wait(c)
        s_start(c)
    for c in range(NCH - NBUF, NCH):
        s_wait(c)


def kernel(x, tables):
    xf = x.T.reshape(-1)
    tab = tables.reshape(F * V, D)
    return _gather_kernel(xf, tab)

# --- scband reference (transcript-rebuilt; emitter-appended) ---
"""Pipeline reference for scband-embedding-machine-35837207118489 (READ-ONLY COPY).

The authoritative reference and input builder live on the scoring server;
editing this copy changes nothing except your own understanding.
"""

import jax, jax.numpy as jnp
import numpy as np

B = 16384
N_FIELDS = 26
VOCAB = 1000
DIM = 128


def setup_inputs(seed: int = 0) -> dict:
    key = jax.random.key(seed)
    kx, kt = jax.random.split(key)
    # indices for each of the 26 sparse fields, in-range [0, VOCAB)
    x = jax.random.randint(kx, (B, N_FIELDS), 0, VOCAB, dtype=jnp.int32)
    # one embedding table per field; all same size so stack into [N_FIELDS, VOCAB, DIM]
    tables = jax.random.normal(kt, (N_FIELDS, VOCAB, DIM), dtype=jnp.float32) * 0.05
    return {"x": x, "tables": tables}


def reference(x, tables):
    # faithful translation: per-field embedding lookup, then concat along feature dim
    outs = [jnp.take(tables[i], x[:, i], axis=0) for i in range(N_FIELDS)]
    return jnp.concatenate(outs, axis=1)  # [B, N_FIELDS * DIM]

if __name__ == "__main__":
    import jax
    _d = setup_inputs()
    print(jax.jit(kernel)(*tuple(_d.values())))

</pallas_src>

<mosaic_0001>
#map = affine_map<(d0, d1) -> (0)>
#map1 = affine_map<(d0, d1) -> (0, 0)>
module attributes {stable_mosaic.version = 14 : i64} {
  func.func @_gather_kernel(%arg0: i32, %arg1: i32, %arg2: memref<425984xi32, #tpu.memory_space<hbm>>, %arg3: memref<26000x128xf32, #tpu.memory_space<hbm>>, %arg4: memref<16384x3328xf32, #tpu.memory_space<hbm>>, %arg5: memref<13000x128xf32, #tpu.memory_space<vmem_shared>>, %arg6: memref<2048xi32, #tpu.memory_space<vmem>>, %arg7: memref<6x32x128xf32, #tpu.memory_space<vmem>>, %arg8: memref<2x!tpu.dma_semaphore, #tpu.memory_space<semaphore_mem>>, %arg9: memref<6x!tpu.dma_semaphore, #tpu.memory_space<semaphore_mem>>, %arg10: memref<6x!tpu.dma_semaphore, #tpu.memory_space<semaphore_mem>>) attributes {dimension_semantics = [#tpu.dimension_semantics<core_parallel>, #tpu.dimension_semantics<subcore_parallel>], iteration_bounds = array<i64: 2, 16>, scalar_prefetch = 0 : i64, scratch_operands = 6 : i64, tpu.core_type = #tpu.core_type<sc_vector_subcore>, window_params = [{transform_indices = #map}, {transform_indices = #map1}, {transform_indices = #map1}]} {
    %mul3A = arith.constant 1024 : i32
    %mul3A_0 = arith.muli %arg1, %mul3A : i32
    %mul3A_1 = arith.constant 13 : i32
    %mul3A_2 = arith.muli %arg0, %mul3A_1 : i32
    %add3A = arith.constant 0 : i32
    %add3A_3 = arith.addi %mul3A_2, %add3A : i32
    %mul3A_4 = arith.constant 16384 : i32
    %mul3A_5 = arith.muli %add3A_3, %mul3A_4 : i32
    %add3A_6 = arith.addi %mul3A_5, %mul3A_0 : i32
    %multiple_of3A = arith.constant 0 : i32
    %multiple_of3A_7 = tpu.assume_multiple %multiple_of3A, 8 : i32
    %dma_start3A = arith.constant 0 : i32
    %dma_start3A_8 = tpu.memref_slice %arg6[%multiple_of3A_7] : memref<2048xi32, #tpu.memory_space<vmem>> -> memref<1024xi32, #tpu.memory_space<vmem>>
    %dma_start3A_9 = tpu.memref_slice %arg2[%add3A_6] : memref<425984xi32, #tpu.memory_space<hbm>> -> memref<1024xi32, #tpu.memory_space<hbm>>
    %dma_start3A_10 = tpu.memref_slice %arg8[%dma_start3A] : memref<2x!tpu.dma_semaphore, #tpu.memory_space<semaphore_mem>> -> memref<1x!tpu.dma_semaphore, #tpu.memory_space<semaphore_mem>>
    %dma_start3A_11 = tpu.memref_squeeze %dma_start3A_10 : memref<1x!tpu.dma_semaphore, #tpu.memory_space<semaphore_mem>> -> memref<!tpu.dma_semaphore, #tpu.memory_space<semaphore_mem>>
    %dma_start3A_12 = tpu.memref_slice %arg6[%multiple_of3A_7] : memref<2048xi32, #tpu.memory_space<vmem>> -> memref<1024xi32, #tpu.memory_space<vmem>>
    %dma_start3A_13 = tpu.memref_slice %arg2[%add3A_6] : memref<425984xi32, #tpu.memory_space<hbm>> -> memref<1024xi32, #tpu.memory_space<hbm>>
    tpu.enqueue_dma source(%dma_start3A_13 : memref<1024xi32, #tpu.memory_space<hbm>>) target(%dma_start3A_12 : memref<1024xi32, #tpu.memory_space<vmem>>) target_semaphore(%dma_start3A_11 : memref<!tpu.dma_semaphore, #tpu.memory_space<semaphore_mem>>)
    %lt3A = arith.constant 13 : i32
    %lt3A_14 = arith.cmpi slt, %arg1, %lt3A : i32
    %convert_element_type3A = arith.extui %lt3A_14 : i1 to i32
    %cond3A = arith.constant 0 : i32
    %cond3A_15 = arith.cmpi ne, %convert_element_type3A, %cond3A : i32
    scf.if %cond3A_15 {
      %add3A_493 = arith.addi %mul3A_2, %arg1 : i32
      %mul3A_494 = arith.constant 1000 : i32
      %mul3A_495 = arith.muli %add3A_493, %mul3A_494 : i32
      %multiple_of3A_496 = tpu.assume_multiple %mul3A_495, 8 : i32
      %mul3A_497 = arith.constant 1000 : i32
      %mul3A_498 = arith.muli %arg1, %mul3A_497 : i32
      %multiple_of3A_499 = tpu.assume_multiple %mul3A_498, 8 : i32
      "tpu.region"() ({
        %run_scoped3A = tpu.sem_alloc : memref<!tpu.dma_semaphore, #tpu.memory_space<semaphore_mem>>
        %dma_start3A_500 = arith.constant 0 : i32
        %dma_start3A_501 = tpu.memref_slice %arg5[%multiple_of3A_499, %dma_start3A_500] : memref<13000x128xf32, #tpu.memory_space<vmem_shared>> -> memref<1000x128xf32, #tpu.memory_space<vmem_shared>>
        %dma_start3A_502 = arith.constant 0 : i32
        %dma_start3A_503 = tpu.memref_slice %arg3[%multiple_of3A_496, %dma_start3A_502] : memref<26000x128xf32, #tpu.memory_space<hbm>> -> memref<1000x128xf32, #tpu.memory_space<hbm>>
        tpu.enqueue_dma source(%dma_start3A_503 : memref<1000x128xf32, #tpu.memory_space<hbm>>) target(%dma_start3A_501 : memref<1000x128xf32, #tpu.memory_space<vmem_shared>>) target_semaphore(%run_scoped3A : memref<!tpu.dma_semaphore, #tpu.memory_space<semaphore_mem>>)
        %dma_wait3A_504 = arith.constant 0 : i32
        %dma_wait3A_505 = tpu.memref_slice %arg5[%multiple_of3A_499, %dma_wait3A_504] : memref<13000x128xf32, #tpu.memory_space<vmem_shared>> -> memref<1000x128xf32, #tpu.memory_space<vmem_shared>>
        %dma_wait3A_506 = arith.constant 0 : i32
        %dma_wait3A_507 = tpu.memref_slice %arg3[%multiple_of3A_496, %dma_wait3A_506] : memref<26000x128xf32, #tpu.memory_space<hbm>> -> memref<1000x128xf32, #tpu.memory_space<hbm>>
        tpu.wait_dma2 semaphore(%run_scoped3A : memref<!tpu.dma_semaphore, #tpu.memory_space<semaphore_mem>>) src(%dma_wait3A_507 : memref<1000x128xf32, #tpu.memory_space<hbm>>) dst(%dma_wait3A_505 : memref<1000x128xf32, #tpu.memory_space<vmem_shared>>)
        tpu.yield
      }) : () -> ()
    } else {
    }
    %barrier3A = arith.constant 0 : index
    tpu.barrier barrier_id(%barrier3A)
    %add3A_16 = arith.constant 0 : i32
    %add3A_17 = arith.addi %mul3A_2, %add3A_16 : i32
    %mul3A_18 = arith.constant 16384 : i32
    %mul3A_19 = arith.muli %add3A_17, %mul3A_18 : i32
    %add3A_20 = arith.addi %mul3A_19, %mul3A_0 : i32
    %multiple_of3A_21 = arith.constant 0 : i32
    %multiple_of3A_22 = tpu.assume_multiple %multiple_of3A_21, 8 : i32
    %dma_wait3A = arith.constant 0 : i32
    %dma_wait3A_23 = tpu.memref_slice %arg6[%multiple_of3A_22] : memref<2048xi32, #tpu.memory_space<vmem>> -> memref<1024xi32, #tpu.memory_space<vmem>>
    %dma_wait3A_24 = tpu.memref_slice %arg2[%add3A_20] : memref<425984xi32, #tpu.memory_space<hbm>> -> memref<1024xi32, #tpu.memory_space<hbm>>
    %dma_wait3A_25 = tpu.memref_slice %arg8[%dma_wait3A] : memref<2x!tpu.dma_semaphore, #tpu.memory_space<semaphore_mem>> -> memref<1x!tpu.dma_semaphore, #tpu.memory_space<semaphore_mem>>
    %dma_wait3A_26 = tpu.memref_squeeze %dma_wait3A_25 : memref<1x!tpu.dma_semaphore, #tpu.memory_space<semaphore_mem>> -> memref<!tpu.dma_semaphore, #tpu.memory_space<semaphore_mem>>
    %dma_wait3A_27 = tpu.memref_slice %arg6[%multiple_of3A_22] : memref<2048xi32, #tpu.memory_space<vmem>> -> memref<1024xi32, #tpu.memory_space<vmem>>
    %dma_wait3A_28 = tpu.memref_slice %arg2[%add3A_20] : memref<425984xi32, #tpu.memory_space<hbm>> -> memref<1024xi32, #tpu.memory_space<hbm>>
    tpu.wait_dma2 semaphore(%dma_wait3A_26 : memref<!tpu.dma_semaphore, #tpu.memory_space<semaphore_mem>>) src(%dma_wait3A_28 : memref<1024xi32, #tpu.memory_space<hbm>>) dst(%dma_wait3A_27 : memref<1024xi32, #tpu.memory_space<vmem>>)
    %add3A_29 = arith.constant 1 : i32
    %add3A_30 = arith.addi %mul3A_2, %add3A_29 : i32
    %mul3A_31 = arith.constant 16384 : i32
    %mul3A_32 = arith.muli %add3A_30, %mul3A_31 : i32
    %add3A_33 = arith.addi %mul3A_32, %mul3A_0 : i32
    %multiple_of3A_34 = arith.constant 1024 : i32
    %multiple_of3A_35 = tpu.assume_multiple %multiple_of3A_34, 8 : i32
    %dma_start3A_36 = arith.constant 1 : i32
    %dma_start3A_37 = tpu.memref_slice %arg6[%multiple_of3A_35] : memref<2048xi32, #tpu.memory_space<vmem>> -> memref<1024xi32, #tpu.memory_space<vmem>>
    %dma_start3A_38 = tpu.memref_slice %arg2[%add3A_33] : memref<425984xi32, #tpu.memory_space<hbm>> -> memref<1024xi32, #tpu.memory_space<hbm>>
    %dma_start3A_39 = tpu.memref_slice %arg8[%dma_start3A_36] : memref<2x!tpu.dma_semaphore, #tpu.memory_space<semaphore_mem>> -> memref<1x!tpu.dma_semaphore, #tpu.memory_space<semaphore_mem>>
    %dma_start3A_40 = tpu.memref_squeeze %dma_start3A_39 : memref<1x!tpu.dma_semaphore, #tpu.memory_space<semaphore_mem>> -> memref<!tpu.dma_semaphore, #tpu.memory_space<semaphore_mem>>
    %dma_start3A_41 = tpu.memref_slice %arg6[%multiple_of3A_35] : memref<2048xi32, #tpu.memory_space<vmem>> -> memref<1024xi32, #tpu.memory_space<vmem>>
    %dma_start3A_42 = tpu.memref_slice %arg2[%add3A_33] : memref<425984xi32, #tpu.memory_space<hbm>> -> memref<1024xi32, #tpu.memory_space<hbm>>
    tpu.enqueue_dma source(%dma_start3A_42 : memref<1024xi32, #tpu.memory_space<hbm>>) target(%dma_start3A_41 : memref<1024xi32, #tpu.memory_space<vmem>>) target_semaphore(%dma_start3A_40 : memref<!tpu.dma_semaphore, #tpu.memory_space<semaphore_mem>>)
    %multiple_of3A_43 = arith.constant 0 : i32
    %multiple_of3A_44 = tpu.assume_multiple %multiple_of3A_43, 8 : i32
    %dma_start3A_45 = arith.constant 0 : i32
    %dma_start3A_46 = arith.constant 0 : i32
    %dma_start3A_47 = arith.constant 0 : i32
    %dma_start3A_48 = arith.constant 0 : i32
    %dma_start3A_49 = tpu.memref_slice %arg7[%dma_start3A_45, %dma_start3A_47, %dma_start3A_48] : memref<6x32x128xf32, #tpu.memory_space<vmem>> -> memref<1x32x128xf32, #tpu.memory_space<vmem>>
    %dma_start3A_50 = tpu.memref_squeeze %dma_start3A_49 : memref<1x32x128xf32, #tpu.memory_space<vmem>> -> memref<32x128xf32, #tpu.memory_space<vmem>>
    %dma_start3A_51 = arith.constant 0 : i32
    %dma_start3A_52 = tpu.memref_slice %arg6[%dma_start3A_51] : memref<2048xi32, #tpu.memory_space<vmem>> -> memref<32xi32, #tpu.memory_space<vmem>>
    %dma_start3A_53 = arith.constant 0 : i32
    %dma_start3A_54 = tpu.memref_slice %arg5[%multiple_of3A_44, %dma_start3A_53] : memref<13000x128xf32, #tpu.memory_space<vmem_shared>> -> memref<1000x128xf32, #tpu.memory_space<vmem_shared>>
    %dma_start3A_55 = arith.constant 0 : i32
    %dma_start3A_56 = arith.constant 0 : i32
    %dma_start3A_57 = tpu.memref_slice %dma_start3A_54[%dma_start3A_55, %dma_start3A_56] : memref<1000x128xf32, #tpu.memory_space<vmem_shared>> -> memref<1000x128xf32, #tpu.memory_space<vmem_shared>>
    %dma_start3A_58 = tpu.memref_slice %arg9[%dma_start3A_46] : memref<6x!tpu.dma_semaphore, #tpu.memory_space<semaphore_mem>> -> memref<1x!tpu.dma_semaphore, #tpu.memory_space<semaphore_mem>>
    %dma_start3A_59 = tpu.memref_squeeze %dma_start3A_58 : memref<1x!tpu.dma_semaphore, #tpu.memory_space<semaphore_mem>> -> memref<!tpu.dma_semaphore, #tpu.memory_space<semaphore_mem>>
    tpu.enqueue_indirect_dma source(%dma_start3A_57 : memref<1000x128xf32, #tpu.memory_space<vmem_shared>>) target(%dma_start3A_50 : memref<32x128xf32, #tpu.memory_space<vmem>>) offsets(%dma_start3A_52 : memref<32xi32, #tpu.memory_space<vmem>>) semaphore(%dma_start3A_59 : memref<!tpu.dma_semaphore, #tpu.memory_space<semaphore_mem>>)
    %multiple_of3A_60 = arith.constant 0 : i32
    %multiple_of3A_61 = tpu.assume_multiple %multiple_of3A_60, 8 : i32
    %dma_start3A_62 = arith.constant 1 : i32
    %dma_start3A_63 = arith.constant 1 : i32
    %dma_start3A_64 = arith.constant 0 : i32
    %dma_start3A_65 = arith.constant 0 : i32
    %dma_start3A_66 = tpu.memref_slice %arg7[%dma_start3A_62, %dma_start3A_64, %dma_start3A_65] : memref<6x32x128xf32, #tpu.memory_space<vmem>> -> memref<1x32x128xf32, #tpu.memory_space<vmem>>
    %dma_start3A_67 = tpu.memref_squeeze %dma_start3A_66 : memref<1x32x128xf32, #tpu.memory_space<vmem>> -> memref<32x128xf32, #tpu.memory_space<vmem>>
    %dma_start3A_68 = arith.constant 32 : i32
    %dma_start3A_69 = tpu.memref_slice %arg6[%dma_start3A_68] : memref<2048xi32, #tpu.memory_space<vmem>> -> memref<32xi32, #tpu.memory_space<vmem>>
    %dma_start3A_70 = arith.constant 0 : i32
    %dma_start3A_71 = tpu.memref_slice %arg5[%multiple_of3A_61, %dma_start3A_70] : memref<13000x128xf32, #tpu.memory_space<vmem_shared>> -> memref<1000x128xf32, #tpu.memory_space<vmem_shared>>
    %dma_start3A_72 = arith.constant 0 : i32
    %dma_start3A_73 = arith.constant 0 : i32
    %dma_start3A_74 = tpu.memref_slice %dma_start3A_71[%dma_start3A_72, %dma_start3A_73] : memref<1000x128xf32, #tpu.memory_space<vmem_shared>> -> memref<1000x128xf32, #tpu.memory_space<vmem_shared>>
    %dma_start3A_75 = tpu.memref_slice %arg9[%dma_start3A_63] : memref<6x!tpu.dma_semaphore, #tpu.memory_space<semaphore_mem>> -> memref<1x!tpu.dma_semaphore, #tpu.memory_space<semaphore_mem>>
    %dma_start3A_76 = tpu.memref_squeeze %dma_start3A_75 : memref<1x!tpu.dma_semaphore, #tpu.memory_space<semaphore_mem>> -> memref<!tpu.dma_semaphore, #tpu.memory_space<semaphore_mem>>
    tpu.enqueue_indirect_dma source(%dma_start3A_74 : memref<1000x128xf32, #tpu.memory_space<vmem_shared>>) target(%dma_start3A_67 : memref<32x128xf32, #tpu.memory_space<vmem>>) offsets(%dma_start3A_69 : memref<32xi32, #tpu.memory_space<vmem>>) semaphore(%dma_start3A_76 : memref<!tpu.dma_semaphore, #tpu.memory_space<semaphore_mem>>)
    %multiple_of3A_77 = arith.constant 0 : i32
    %multiple_of3A_78 = tpu.assume_multiple %multiple_of3A_77, 8 : i32
    %dma_start3A_79 = arith.constant 2 : i32
    %dma_start3A_80 = arith.constant 2 : i32
    %dma_start3A_81 = arith.constant 0 : i32
    %dma_start3A_82 = arith.constant 0 : i32
    %dma_start3A_83 = tpu.memref_slice %arg7[%dma_start3A_79, %dma_start3A_81, %dma_start3A_82] : memref<6x32x128xf32, #tpu.memory_space<vmem>> -> memref<1x32x128xf32, #tpu.memory_space<vmem>>
    %dma_start3A_84 = tpu.memref_squeeze %dma_start3A_83 : memref<1x32x128xf32, #tpu.memory_space<vmem>> -> memref<32x128xf32, #tpu.memory_space<vmem>>
    %dma_start3A_85 = arith.constant 64 : i32
    %dma_start3A_86 = tpu.memref_slice %arg6[%dma_start3A_85] : memref<2048xi32, #tpu.memory_space<vmem>> -> memref<32xi32, #tpu.memory_space<vmem>>
    %dma_start3A_87 = arith.constant 0 : i32
    %dma_start3A_88 = tpu.memref_slice %arg5[%multiple_of3A_78, %dma_start3A_87] : memref<13000x128xf32, #tpu.memory_space<vmem_shared>> -> memref<1000x128xf32, #tpu.memory_space<vmem_shared>>
    %dma_start3A_89 = arith.constant 0 : i32
    %dma_start3A_90 = arith.constant 0 : i32
    %dma_start3A_91 = tpu.memref_slice %dma_start3A_88[%dma_start3A_89, %dma_start3A_90] : memref<1000x128xf32, #tpu.memory_space<vmem_shared>> -> memref<1000x128xf32, #tpu.memory_space<vmem_shared>>
    %dma_start3A_92 = tpu.memref_slice %arg9[%dma_start3A_80] : memref<6x!tpu.dma_semaphore, #tpu.memory_space<semaphore_mem>> -> memref<1x!tpu.dma_semaphore, #tpu.memory_space<semaphore_mem>>
    %dma_start3A_93 = tpu.memref_squeeze %dma_start3A_92 : memref<1x!tpu.dma_semaphore, #tpu.memory_space<semaphore_mem>> -> memref<!tpu.dma_semaphore, #tpu.memory_space<semaphore_mem>>
    tpu.enqueue_indirect_dma source(%dma_start3A_91 : memref<1000x128xf32, #tpu.memory_space<vmem_shared>>) target(%dma_start3A_84 : memref<32x128xf32, #tpu.memory_space<vmem>>) offsets(%dma_start3A_86 : memref<32xi32, #tpu.memory_space<vmem>>) semaphore(%dma_start3A_93 : memref<!tpu.dma_semaphore, #tpu.memory_space<semaphore_mem>>)
    %multiple_of3A_94 = arith.constant 0 : i32
    %multiple_of3A_95 = tpu.assume_multiple %multiple_of3A_94, 8 : i32
    %dma_wait3A_96 = arith.constant 0 : i32
    %dma_wait3A_97 = arith.constant 0 : i32
    %dma_wait3A_98 = arith.constant 0 : i32
    %dma_wait3A_99 = arith.constant 0 : i32
    %dma_wait3A_100 = tpu.memref_slice %arg7[%dma_wait3A_96, %dma_wait3A_98, %dma_wait3A_99] : memref<6x32x128xf32, #tpu.memory_space<vmem>> -> memref<1x32x128xf32, #tpu.memory_space<vmem>>
    %dma_wait3A_101 = tpu.memref_squeeze %dma_wait3A_100 : memref<1x32x128xf32, #tpu.memory_space<vmem>> -> memref<32x128xf32, #tpu.memory_space<vmem>>
    %dma_wait3A_102 = arith.constant 0 : i32
    %dma_wait3A_103 = tpu.memref_slice %arg6[%dma_wait3A_102] : memref<2048xi32, #tpu.memory_space<vmem>> -> memref<32xi32, #tpu.memory_space<vmem>>
    %dma_wait3A_104 = arith.constant 0 : i32
    %dma_wait3A_105 = tpu.memref_slice %arg5[%multiple_of3A_95, %dma_wait3A_104] : memref<13000x128xf32, #tpu.memory_space<vmem_shared>> -> memref<1000x128xf32, #tpu.memory_space<vmem_shared>>
    %dma_wait3A_106 = arith.constant 0 : i32
    %dma_wait3A_107 = arith.constant 0 : i32
    %dma_wait3A_108 = tpu.memref_slice %dma_wait3A_105[%dma_wait3A_106, %dma_wait3A_107] : memref<1000x128xf32, #tpu.memory_space<vmem_shared>> -> memref<1000x128xf32, #tpu.memory_space<vmem_shared>>
    %dma_wait3A_109 = tpu.memref_slice %arg9[%dma_wait3A_97] : memref<6x!tpu.dma_semaphore, #tpu.memory_space<semaphore_mem>> -> memref<1x!tpu.dma_semaphore, #tpu.memory_space<semaphore_mem>>
    %dma_wait3A_110 = tpu.memref_squeeze %dma_wait3A_109 : memref<1x!tpu.dma_semaphore, #tpu.memory_space<semaphore_mem>> -> memref<!tpu.dma_semaphore, #tpu.memory_space<semaphore_mem>>
    tpu.wait_indirect_dma semaphore(%dma_wait3A_110 : memref<!tpu.dma_semaphore, #tpu.memory_space<semaphore_mem>>) src(%dma_wait3A_108 : memref<1000x128xf32, #tpu.memory_space<vmem_shared>>) dst(%dma_wait3A_101 : memref<32x128xf32, #tpu.memory_space<vmem>>)
    %add3A_111 = arith.constant 0 : i32
    %add3A_112 = arith.addi %mul3A_0, %add3A_111 : i32
    %add3A_113 = arith.constant 0 : i32
    %add3A_114 = arith.addi %mul3A_2, %add3A_113 : i32
    %mul3A_115 = arith.constant 128 : i32
    %mul3A_116 = arith.muli %add3A_114, %mul3A_115 : i32
    %dma_start3A_117 = arith.constant 0 : i32
    %dma_start3A_118 = arith.constant 0 : i32
    %dma_start3A_119 = arith.constant 0 : i32
    %dma_start3A_120 = arith.constant 0 : i32
    %dma_start3A_121 = tpu.memref_slice %arg7[%dma_start3A_117, %dma_start3A_119, %dma_start3A_120] : memref<6x32x128xf32, #tpu.memory_space<vmem>> -> memref<1x32x128xf32, #tpu.memory_space<vmem>>
    %dma_start3A_122 = tpu.memref_squeeze %dma_start3A_121 : memref<1x32x128xf32, #tpu.memory_space<vmem>> -> memref<32x128xf32, #tpu.memory_space<vmem>>
    %dma_start3A_123 = tpu.memref_slice %arg4[%add3A_112, %mul3A_116] : memref<16384x3328xf32, #tpu.memory_space<hbm>> -> memref<32x128xf32, #tpu.memory_space<hbm>>
    %dma_start3A_124 = tpu.memref_slice %arg10[%dma_start3A_118] : memref<6x!tpu.dma_semaphore, #tpu.memory_space<semaphore_mem>> -> memref<1x!tpu.dma_semaphore, #tpu.memory_space<semaphore_mem>>
    %dma_start3A_125 = tpu.memref_squeeze %dma_start3A_124 : memref<1x!tpu.dma_semaphore, #tpu.memory_space<semaphore_mem>> -> memref<!tpu.dma_semaphore, #tpu.memory_space<semaphore_mem>>
    %dma_start3A_126 = tpu.memref_slice %arg4[%add3A_112, %mul3A_116] : memref<16384x3328xf32, #tpu.memory_space<hbm>> -> memref<32x128xf32, #tpu.memory_space<hbm>>
    %dma_start3A_127 = arith.constant 0 : i32
    %dma_start3A_128 = arith.constant 0 : i32
    %dma_start3A_129 = tpu.memref_slice %arg7[%dma_start3A_117, %dma_start3A_127, %dma_start3A_128] : memref<6x32x128xf32, #tpu.memory_space<vmem>> -> memref<1x32x128xf32, #tpu.memory_space<vmem>>
    %dma_start3A_130 = tpu.memref_squeeze %dma_start3A_129 : memref<1x32x128xf32, #tpu.memory_space<vmem>> -> memref<32x128xf32, #tpu.memory_space<vmem>>
    tpu.enqueue_dma source(%dma_start3A_130 : memref<32x128xf32, #tpu.memory_space<vmem>>) target(%dma_start3A_126 : memref<32x128xf32, #tpu.memory_space<hbm>>) target_semaphore(%dma_start3A_125 : memref<!tpu.dma_semaphore, #tpu.memory_space<semaphore_mem>>)
    %multiple_of3A_131 = arith.constant 0 : i32
    %multiple_of3A_132 = tpu.assume_multiple %multiple_of3A_131, 8 : i32
    %dma_start3A_133 = arith.constant 3 : i32
    %dma_start3A_134 = arith.constant 3 : i32
    %dma_start3A_135 = arith.constant 0 : i32
    %dma_start3A_136 = arith.constant 0 : i32
    %dma_start3A_137 = tpu.memref_slice %arg7[%dma_start3A_133, %dma_start3A_135, %dma_start3A_136] : memref<6x32x128xf32, #tpu.memory_space<vmem>> -> memref<1x32x128xf32, #tpu.memory_space<vmem>>
    %dma_start3A_138 = tpu.memref_squeeze %dma_start3A_137 : memref<1x32x128xf32, #tpu.memory_space<vmem>> -> memref<32x128xf32, #tpu.memory_space<vmem>>
    %dma_start3A_139 = arith.constant 96 : i32
    %dma_start3A_140 = tpu.memref_slice %arg6[%dma_start3A_139] : memref<2048xi32, #tpu.memory_space<vmem>> -> memref<32xi32, #tpu.memory_space<vmem>>
    %dma_start3A_141 = arith.constant 0 : i32
    %dma_start3A_142 = tpu.memref_slice %arg5[%multiple_of3A_132, %dma_start3A_141] : memref<13000x128xf32, #tpu.memory_space<vmem_shared>> -> memref<1000x128xf32, #tpu.memory_space<vmem_shared>>
    %dma_start3A_143 = arith.constant 0 : i32
    %dma_start3A_144 = arith.constant 0 : i32
    %dma_start3A_145 = tpu.memref_slice %dma_start3A_142[%dma_start3A_143, %dma_start3A_144] : memref<1000x128xf32, #tpu.memory_space<vmem_shared>> -> memref<1000x128xf32, #tpu.memory_space<vmem_shared>>
    %dma_start3A_146 = tpu.memref_slice %arg9[%dma_start3A_134] : memref<6x!tpu.dma_semaphore, #tpu.memory_space<semaphore_mem>> -> memref<1x!tpu.dma_semaphore, #tpu.memory_space<semaphore_mem>>
    %dma_start3A_147 = tpu.memref_squeeze %dma_start3A_146 : memref<1x!tpu.dma_semaphore, #tpu.memory_space<semaphore_mem>> -> memref<!tpu.dma_semaphore, #tpu.memory_space<semaphore_mem>>
    tpu.enqueue_indirect_dma source(%dma_start3A_145 : memref<1000x128xf32, #tpu.memory_space<vmem_shared>>) target(%dma_start3A_138 : memref<32x128xf32, #tpu.memory_space<vmem>>) offsets(%dma_start3A_140 : memref<32xi32, #tpu.memory_space<vmem>>) semaphore(%dma_start3A_147 : memref<!tpu.dma_semaphore, #tpu.memory_space<semaphore_mem>>)
    %multiple_of3A_148 = arith.constant 0 : i32
    %multiple_of3A_149 = tpu.assume_multiple %multiple_of3A_148, 8 : i32
    %dma_wait3A_150 = arith.constant 1 : i32
    %dma_wait3A_151 = arith.constant 1 : i32
    %dma_wait3A_152 = arith.constant 0 : i32
    %dma_wait3A_153 = arith.constant 0 : i32
    %dma_wait3A_154 = tpu.memref_slice %arg7[%dma_wait3A_150, %dma_wait3A_152, %dma_wait3A_153] : memref<6x32x128xf32, #tpu.memory_space<vmem>> -> memref<1x32x128xf32, #tpu.memory_space<vmem>>
    %dma_wait3A_155 = tpu.memref_squeeze %dma_wait3A_154 : memref<1x32x128xf32, #tpu.memory_space<vmem>> -> memref<32x128xf32, #tpu.memory_space<vmem>>
    %dma_wait3A_156 = arith.constant 32 : i32
    %dma_wait3A_157 = tpu.memref_slice %arg6[%dma_wait3A_156] : memref<2048xi32, #tpu.memory_space<vmem>> -> memref<32xi32, #tpu.memory_space<vmem>>
    %dma_wait3A_158 = arith.constant 0 : i32
    %dma_wait3A_159 = tpu.memref_slice %arg5[%multiple_of3A_149, %dma_wait3A_158] : memref<13000x128xf32, #tpu.memory_space<vmem_shared>> -> memref<1000x128xf32, #tpu.memory_space<vmem_shared>>
    %dma_wait3A_160 = arith.constant 0 : i32
    %dma_wait3A_161 = arith.constant 0 : i32
    %dma_wait3A_162 = tpu.memref_slice %dma_wait3A_159[%dma_wait3A_160, %dma_wait3A_161] : memref<1000x128xf32, #tpu.memory_space<vmem_shared>> -> memref<1000x128xf32, #tpu.memory_space<vmem_shared>>
    %dma_wait3A_163 = tpu.memref_slice %arg9[%dma_wait3A_151] : memref<6x!tpu.dma_semaphore, #tpu.memory_space<semaphore_mem>> -> memref<1x!tpu.dma_semaphore, #tpu.memory_space<semaphore_mem>>
    %dma_wait3A_164 = tpu.memref_squeeze %dma_wait3A_163 : memref<1x!tpu.dma_semaphore, #tpu.memory_space<semaphore_mem>> -> memref<!tpu.dma_semaphore, #tpu.memory_space<semaphore_mem>>
    tpu.wait_indirect_dma semaphore(%dma_wait3A_164 : memref<!tpu.dma_semaphore, #tpu.memory_space<semaphore_mem>>) src(%dma_wait3A_162 : memref<1000x128xf32, #tpu.memory_space<vmem_shared>>) dst(%dma_wait3A_155 : memref<32x128xf32, #tpu.memory_space<vmem>>)
    %add3A_165 = arith.constant 32 : i32
    %add3A_166 = arith.addi %mul3A_0, %add3A_165 : i32
    %add3A_167 = arith.constant 0 : i32
    %add3A_168 = arith.addi %mul3A_2, %add3A_167 : i32
    %mul3A_169 = arith.constant 128 : i32
    %mul3A_170 = arith.muli %add3A_168, %mul3A_169 : i32
    %dma_start3A_171 = arith.constant 1 : i32
    %dma_start3A_172 = arith.constant 1 : i32
    %dma_start3A_173 = arith.constant 0 : i32
    %dma_start3A_174 = arith.constant 0 : i32
    %dma_start3A_175 = tpu.memref_slice %arg7[%dma_start3A_171, %dma_start3A_173, %dma_start3A_174] : memref<6x32x128xf32, #tpu.memory_space<vmem>> -> memref<1x32x128xf32, #tpu.memory_space<vmem>>
    %dma_start3A_176 = tpu.memref_squeeze %dma_start3A_175 : memref<1x32x128xf32, #tpu.memory_space<vmem>> -> memref<32x128xf32, #tpu.memory_space<vmem>>
    %dma_start3A_177 = tpu.memref_slice %arg4[%add3A_166, %mul3A_170] : memref<16384x3328xf32, #tpu.memory_space<hbm>> -> memref<32x128xf32, #tpu.memory_space<hbm>>
    %dma_start3A_178 = tpu.memref_slice %arg10[%dma_start3A_172] : memref<6x!tpu.dma_semaphore, #tpu.memory_space<semaphore_mem>> -> memref<1x!tpu.dma_semaphore, #tpu.memory_space<semaphore_mem>>
    %dma_start3A_179 = tpu.memref_squeeze %dma_start3A_178 : memref<1x!tpu.dma_semaphore, #tpu.memory_space<semaphore_mem>> -> memref<!tpu.dma_semaphore, #tpu.memory_space<semaphore_mem>>
    %dma_start3A_180 = tpu.memref_slice %arg4[%add3A_166, %mul3A_170] : memref<16384x3328xf32, #tpu.memory_space<hbm>> -> memref<32x128xf32, #tpu.memory_space<hbm>>
    %dma_start3A_181 = arith.constant 0 : i32
    %dma_start3A_182 = arith.constant 0 : i32
    %dma_start3A_183 = tpu.memref_slice %arg7[%dma_start3A_171, %dma_start3A_181, %dma_start3A_182] : memref<6x32x128xf32, #tpu.memory_space<vmem>> -> memref<1x32x128xf32, #tpu.memory_space<vmem>>
    %dma_start3A_184 = tpu.memref_squeeze %dma_start3A_183 : memref<1x32x128xf32, #tpu.memory_space<vmem>> -> memref<32x128xf32, #tpu.memory_space<vmem>>
    tpu.enqueue_dma source(%dma_start3A_184 : memref<32x128xf32, #tpu.memory_space<vmem>>) target(%dma_start3A_180 : memref<32x128xf32, #tpu.memory_space<hbm>>) target_semaphore(%dma_start3A_179 : memref<!tpu.dma_semaphore, #tpu.memory_space<semaphore_mem>>)
    %multiple_of3A_185 = arith.constant 0 : i32
    %multiple_of3A_186 = tpu.assume_multiple %multiple_of3A_185, 8 : i32
    %dma_start3A_187 = arith.constant 4 : i32
    %dma_start3A_188 = arith.constant 4 : i32
    %dma_start3A_189 = arith.constant 0 : i32
    %dma_start3A_190 = arith.constant 0 : i32
    %dma_start3A_191 = tpu.memref_slice %arg7[%dma_start3A_187, %dma_start3A_189, %dma_start3A_190] : memref<6x32x128xf32, #tpu.memory_space<vmem>> -> memref<1x32x128xf32, #tpu.memory_space<vmem>>
    %dma_start3A_192 = tpu.memref_squeeze %dma_start3A_191 : memref<1x32x128xf32, #tpu.memory_space<vmem>> -> memref<32x128xf32, #tpu.memory_space<vmem>>
    %dma_start3A_193 = arith.constant 128 : i32
    %dma_start3A_194 = tpu.memref_slice %arg6[%dma_start3A_193] : memref<2048xi32, #tpu.memory_space<vmem>> -> memref<32xi32, #tpu.memory_space<vmem>>
    %dma_start3A_195 = arith.constant 0 : i32
    %dma_start3A_196 = tpu.memref_slice %arg5[%multiple_of3A_186, %dma_start3A_195] : memref<13000x128xf32, #tpu.memory_space<vmem_shared>> -> memref<1000x128xf32, #tpu.memory_space<vmem_shared>>
    %dma_start3A_197 = arith.constant 0 : i32
    %dma_start3A_198 = arith.constant 0 : i32
    %dma_start3A_199 = tpu.memref_slice %dma_start3A_196[%dma_start3A_197, %dma_start3A_198] : memref<1000x128xf32, #tpu.memory_space<vmem_shared>> -> memref<1000x128xf32, #tpu.memory_space<vmem_shared>>
    %dma_start3A_200 = tpu.memref_slice %arg9[%dma_start3A_188] : memref<6x!tpu.dma_semaphore, #tpu.memory_space<semaphore_mem>> -> memref<1x!tpu.dma_semaphore, #tpu.memory_space<semaphore_mem>>
    %dma_start3A_201 = tpu.memref_squeeze %dma_start3A_200 : memref<1x!tpu.dma_semaphore, #tpu.memory_space<semaphore_mem>> -> memref<!tpu.dma_semaphore, #tpu.memory_space<semaphore_mem>>
    tpu.enqueue_indirect_dma source(%dma_start3A_199 : memref<1000x128xf32, #tpu.memory_space<vmem_shared>>) target(%dma_start3A_192 : memref<32x128xf32, #tpu.memory_space<vmem>>) offsets(%dma_start3A_194 : memref<32xi32, #tpu.memory_space<vmem>>) semaphore(%dma_start3A_201 : memref<!tpu.dma_semaphore, #tpu.memory_space<semaphore_mem>>)
    %multiple_of3A_202 = arith.constant 0 : i32
    %multiple_of3A_203 = tpu.assume_multiple %multiple_of3A_202, 8 : i32
    %dma_wait3A_204 = arith.constant 2 : i32
    %dma_wait3A_205 = arith.constant 2 : i32
    %dma_wait3A_206 = arith.constant 0 : i32
    %dma_wait3A_207 = arith.constant 0 : i32
    %dma_wait3A_208 = tpu.memref_slice %arg7[%dma_wait3A_204, %dma_wait3A_206, %dma_wait3A_207] : memref<6x32x128xf32, #tpu.memory_space<vmem>> -> memref<1x32x128xf32, #tpu.memory_space<vmem>>
    %dma_wait3A_209 = tpu.memref_squeeze %dma_wait3A_208 : memref<1x32x128xf32, #tpu.memory_space<vmem>> -> memref<32x128xf32, #tpu.memory_space<vmem>>
    %dma_wait3A_210 = arith.constant 64 : i32
    %dma_wait3A_211 = tpu.memref_slice %arg6[%dma_wait3A_210] : memref<2048xi32, #tpu.memory_space<vmem>> -> memref<32xi32, #tpu.memory_space<vmem>>
    %dma_wait3A_212 = arith.constant 0 : i32
    %dma_wait3A_213 = tpu.memref_slice %arg5[%multiple_of3A_203, %dma_wait3A_212] : memref<13000x128xf32, #tpu.memory_space<vmem_shared>> -> memref<1000x128xf32, #tpu.memory_space<vmem_shared>>
    %dma_wait3A_214 = arith.constant 0 : i32
    %dma_wait3A_215 = arith.constant 0 : i32
    %dma_wait3A_216 = tpu.memref_slice %dma_wait3A_213[%dma_wait3A_214, %dma_wait3A_215] : memref<1000x128xf32, #tpu.memory_space<vmem_shared>> -> memref<1000x128xf32, #tpu.memory_space<vmem_shared>>
    %dma_wait3A_217 = tpu.memref_slice %arg9[%dma_wait3A_205] : memref<6x!tpu.dma_semaphore, #tpu.memory_space<semaphore_mem>> -> memref<1x!tpu.dma_semaphore, #tpu.memory_space<semaphore_mem>>
    %dma_wait3A_218 = tpu.memref_squeeze %dma_wait3A_217 : memref<1x!tpu.dma_semaphore, #tpu.memory_space<semaphore_mem>> -> memref<!tpu.dma_semaphore, #tpu.memory_space<semaphore_mem>>
    tpu.wait_indirect_dma semaphore(%dma_wait3A_218 : memref<!tpu.dma_semaphore, #tpu.memory_space<semaphore_mem>>) src(%dma_wait3A_216 : memref<1000x128xf32, #tpu.memory_space<vmem_shared>>) dst(%dma_wait3A_209 : memref<32x128xf32, #tpu.memory_space<vmem>>)
    %add3A_219 = arith.constant 64 : i32
    %add3A_220 = arith.addi %mul3A_0, %add3A_219 : i32
    %add3A_221 = arith.constant 0 : i32
    %add3A_222 = arith.addi %mul3A_2, %add3A_221 : i32
    %mul3A_223 = arith.constant 128 : i32
    %mul3A_224 = arith.muli %add3A_222, %mul3A_223 : i32
    %dma_start3A_225 = arith.constant 2 : i32
    %dma_start3A_226 = arith.constant 2 : i32
    %dma_start3A_227 = arith.constant 0 : i32
    %dma_start3A_228 = arith.constant 0 : i32
    %dma_start3A_229 = tpu.memref_slice %arg7[%dma_start3A_225, %dma_start3A_227, %dma_start3A_228] : memref<6x32x128xf32, #tpu.memory_space<vmem>> -> memref<1x32x128xf32, #tpu.memory_space<vmem>>
    %dma_start3A_230 = tpu.memref_squeeze %dma_start3A_229 : memref<1x32x128xf32, #tpu.memory_space<vmem>> -> memref<32x128xf32, #tpu.memory_space<vmem>>
    %dma_start3A_231 = tpu.memref_slice %arg4[%add3A_220, %mul3A_224] : memref<16384x3328xf32, #tpu.memory_space<hbm>> -> memref<32x128xf32, #tpu.memory_space<hbm>>
    %dma_start3A_232 = tpu.memref_slice %arg10[%dma_start3A_226] : memref<6x!tpu.dma_semaphore, #tpu.memory_space<semaphore_mem>> -> memref<1x!tpu.dma_semaphore, #tpu.memory_space<semaphore_mem>>
    %dma_start3A_233 = tpu.memref_squeeze %dma_start3A_232 : memref<1x!tpu.dma_semaphore, #tpu.memory_space<semaphore_mem>> -> memref<!tpu.dma_semaphore, #tpu.memory_space<semaphore_mem>>
    %dma_start3A_234 = tpu.memref_slice %arg4[%add3A_220, %mul3A_224] : memref<16384x3328xf32, #tpu.memory_space<hbm>> -> memref<32x128xf32, #tpu.memory_space<hbm>>
    %dma_start3A_235 = arith.constant 0 : i32
    %dma_start3A_236 = arith.constant 0 : i32
    %dma_start3A_237 = tpu.memref_slice %arg7[%dma_start3A_225, %dma_start3A_235, %dma_start3A_236] : memref<6x32x128xf32, #tpu.memory_space<vmem>> -> memref<1x32x128xf32, #tpu.memory_space<vmem>>
    %dma_start3A_238 = tpu.memref_squeeze %dma_start3A_237 : memref<1x32x128xf32, #tpu.memory_space<vmem>> -> memref<32x128xf32, #tpu.memory_space<vmem>>
    tpu.enqueue_dma source(%dma_start3A_238 : memref<32x128xf32, #tpu.memory_space<vmem>>) target(%dma_start3A_234 : memref<32x128xf32, #tpu.memory_space<hbm>>) target_semaphore(%dma_start3A_233 : memref<!tpu.dma_semaphore, #tpu.memory_space<semaphore_mem>>)
    %multiple_of3A_239 = arith.constant 0 : i32
    %multiple_of3A_240 = tpu.assume_multiple %multiple_of3A_239, 8 : i32
    %dma_start3A_241 = arith.constant 5 : i32
    %dma_start3A_242 = arith.constant 5 : i32
    %dma_start3A_243 = arith.constant 0 : i32
    %dma_start3A_244 = arith.constant 0 : i32
    %dma_start3A_245 = tpu.memref_slice %arg7[%dma_start3A_241, %dma_start3A_243, %dma_start3A_244] : memref<6x32x128xf32, #tpu.memory_space<vmem>> -> memref<1x32x128xf32, #tpu.memory_space<vmem>>
    %dma_start3A_246 = tpu.memref_squeeze %dma_start3A_245 : memref<1x32x128xf32, #tpu.memory_space<vmem>> -> memref<32x128xf32, #tpu.memory_space<vmem>>
    %dma_start3A_247 = arith.constant 160 : i32
    %dma_start3A_248 = tpu.memref_slice %arg6[%dma_start3A_247] : memref<2048xi32, #tpu.memory_space<vmem>> -> memref<32xi32, #tpu.memory_space<vmem>>
    %dma_start3A_249 = arith.constant 0 : i32
    %dma_start3A_250 = tpu.memref_slice %arg5[%multiple_of3A_240, %dma_start3A_249] : memref<13000x128xf32, #tpu.memory_space<vmem_shared>> -> memref<1000x128xf32, #tpu.memory_space<vmem_shared>>
    %dma_start3A_251 = arith.constant 0 : i32
    %dma_start3A_252 = arith.constant 0 : i32
    %dma_start3A_253 = tpu.memref_slice %dma_start3A_250[%dma_start3A_251, %dma_start3A_252] : memref<1000x128xf32, #tpu.memory_space<vmem_shared>> -> memref<1000x128xf32, #tpu.memory_space<vmem_shared>>
    %dma_start3A_254 = tpu.memref_slice %arg9[%dma_start3A_242] : memref<6x!tpu.dma_semaphore, #tpu.memory_space<semaphore_mem>> -> memref<1x!tpu.dma_semaphore, #tpu.memory_space<semaphore_mem>>
    %dma_start3A_255 = tpu.memref_squeeze %dma_start3A_254 : memref<1x!tpu.dma_semaphore, #tpu.memory_space<semaphore_mem>> -> memref<!tpu.dma_semaphore, #tpu.memory_space<semaphore_mem>>
    tpu.enqueue_indirect_dma source(%dma_start3A_253 : memref<1000x128xf32, #tpu.memory_space<vmem_shared>>) target(%dma_start3A_246 : memref<32x128xf32, #tpu.memory_space<vmem>>) offsets(%dma_start3A_248 : memref<32xi32, #tpu.memory_space<vmem>>) semaphore(%dma_start3A_255 : memref<!tpu.dma_semaphore, #tpu.memory_space<semaphore_mem>>)
    %scan3A = arith.constant 0 : i32
    %scan3A_256 = arith.constant 3 : i32
    %scan3A_257 = arith.constant 205 : i32
    %scan3A_258 = arith.addi %scan3A_256, %scan3A_257 : i32
    %scan3A_259 = arith.constant 1 : i32
    %scan3A_260 = scf.for %scan3A_493 = %scan3A_256 to %scan3A_258 step %scan3A_259 iter_args(%scan3A_494 = %scan3A) -> (i32)  : i32 {
      %mul3A_495 = arith.constant 2 : i32
      %mul3A_496 = arith.muli %mul3A_495, %scan3A_493 : i32
      %add3A_497 = arith.constant 0 : i32
      %add3A_498 = arith.addi %mul3A_496, %add3A_497 : i32
      %jit3A = arith.constant 32 : i32
      %div3A = arith.divsi %add3A_498, %jit3A : i32
      %sign3A = arith.constant 0 : i32
      %sign3A_499 = arith.cmpi sgt, %add3A_498, %sign3A : i32
      %sign3A_500 = arith.extui %sign3A_499 : i1 to i32
      %sign3A_501 = arith.constant 0 : i32
      %sign3A_502 = arith.cmpi slt, %add3A_498, %sign3A_501 : i32
      %sign3A_503 = arith.extui %sign3A_502 : i1 to i32
      %sign3A_504 = arith.subi %sign3A_500, %sign3A_503 : i32
      %sign3A_505 = arith.constant 0 : i32
      %sign3A_506 = arith.cmpi sgt, %jit3A, %sign3A_505 : i32
      %sign3A_507 = arith.extui %sign3A_506 : i1 to i32
      %sign3A_508 = arith.constant 0 : i32
      %sign3A_509 = arith.cmpi slt, %jit3A, %sign3A_508 : i32
      %sign3A_510 = arith.extui %sign3A_509 : i1 to i32
      %sign3A_511 = arith.subi %sign3A_507, %sign3A_510 : i32
      %ne3A = arith.cmpi ne, %sign3A_504, %sign3A_511 : i32
      %rem3A = arith.remsi %add3A_498, %jit3A : i32
      %ne3A_512 = arith.constant 0 : i32
      %ne3A_513 = arith.cmpi ne, %rem3A, %ne3A_512 : i32
      %and3A = arith.andi %ne3A, %ne3A_513 : i1
      %sub3A = arith.constant 1 : i32
      %sub3A_514 = arith.subi %div3A, %sub3A : i32
      %select_n3A = arith.select %and3A, %sub3A_514, %div3A : i32
      %jit3A_515 = arith.constant 32 : i32
      %eq3A = arith.constant 0 : i32
      %eq3A_516 = arith.cmpi eq, %jit3A_515, %eq3A : i32
      %jit3A_517 = arith.constant 1 : i32
      %select_n3A_518 = arith.select %eq3A_516, %jit3A_517, %jit3A_515 : i32
      %rem3A_519 = arith.remsi %add3A_498, %select_n3A_518 : i32
      %ne3A_520 = arith.constant 0 : i32
      %ne3A_521 = arith.cmpi ne, %rem3A_519, %ne3A_520 : i32
      %lt3A_522 = arith.constant 0 : i32
      %lt3A_523 = arith.cmpi slt, %rem3A_519, %lt3A_522 : i32
      %lt3A_524 = arith.constant 0 : i32
      %lt3A_525 = arith.cmpi slt, %select_n3A_518, %lt3A_524 : i32
      %ne3A_526 = arith.xori %lt3A_523, %lt3A_525 : i1
      %and3A_527 = arith.andi %ne3A_526, %ne3A_521 : i1
      %add3A_528 = arith.addi %rem3A_519, %select_n3A_518 : i32
      %select_n3A_529 = arith.select %and3A_527, %add3A_528, %rem3A_519 : i32
      %sub3A_530 = arith.constant 3 : i32
      %sub3A_531 = arith.subi %add3A_498, %sub3A_530 : i32
      %jit3A_532 = arith.constant 32 : i32
      %div3A_533 = arith.divsi %sub3A_531, %jit3A_532 : i32
      %sign3A_534 = arith.constant 0 : i32
      %sign3A_535 = arith.cmpi sgt, %sub3A_531, %sign3A_534 : i32
      %sign3A_536 = arith.extui %sign3A_535 : i1 to i32
      %sign3A_537 = arith.constant 0 : i32
      %sign3A_538 = arith.cmpi slt, %sub3A_531, %sign3A_537 : i32
      %sign3A_539 = arith.extui %sign3A_538 : i1 to i32
      %sign3A_540 = arith.subi %sign3A_536, %sign3A_539 : i32
      %sign3A_541 = arith.constant 0 : i32
      %sign3A_542 = arith.cmpi sgt, %jit3A_532, %sign3A_541 : i32
      %sign3A_543 = arith.extui %sign3A_542 : i1 to i32
      %sign3A_544 = arith.constant 0 : i32
      %sign3A_545 = arith.cmpi slt, %jit3A_532, %sign3A_544 : i32
      %sign3A_546 = arith.extui %sign3A_545 : i1 to i32
      %sign3A_547 = arith.subi %sign3A_543, %sign3A_546 : i32
      %ne3A_548 = arith.cmpi ne, %sign3A_540, %sign3A_547 : i32
      %rem3A_549 = arith.remsi %sub3A_531, %jit3A_532 : i32
      %ne3A_550 = arith.constant 0 : i32
      %ne3A_551 = arith.cmpi ne, %rem3A_549, %ne3A_550 : i32
      %and3A_552 = arith.andi %ne3A_548, %ne3A_551 : i1
      %sub3A_553 = arith.constant 1 : i32
      %sub3A_554 = arith.subi %div3A_533, %sub3A_553 : i32
      %select_n3A_555 = arith.select %and3A_552, %sub3A_554, %div3A_533 : i32
      %jit3A_556 = arith.constant 32 : i32
      %eq3A_557 = arith.constant 0 : i32
      %eq3A_558 = arith.cmpi eq, %jit3A_556, %eq3A_557 : i32
      %jit3A_559 = arith.constant 1 : i32
      %select_n3A_560 = arith.select %eq3A_558, %jit3A_559, %jit3A_556 : i32
      %rem3A_561 = arith.remsi %sub3A_531, %select_n3A_560 : i32
      %ne3A_562 = arith.constant 0 : i32
      %ne3A_563 = arith.cmpi ne, %rem3A_561, %ne3A_562 : i32
      %lt3A_564 = arith.constant 0 : i32
      %lt3A_565 = arith.cmpi slt, %rem3A_561, %lt3A_564 : i32
      %lt3A_566 = arith.constant 0 : i32
      %lt3A_567 = arith.cmpi slt, %select_n3A_560, %lt3A_566 : i32
      %ne3A_568 = arith.xori %lt3A_565, %lt3A_567 : i1
      %and3A_569 = arith.andi %ne3A_568, %ne3A_563 : i1
      %add3A_570 = arith.addi %rem3A_561, %select_n3A_560 : i32
      %select_n3A_571 = arith.select %and3A_569, %add3A_570, %rem3A_561 : i32
      %jit3A_572 = arith.constant 6 : i32
      %eq3A_573 = arith.constant 0 : i32
      %eq3A_574 = arith.cmpi eq, %jit3A_572, %eq3A_573 : i32
      %jit3A_575 = arith.constant 1 : i32
      %select_n3A_576 = arith.select %eq3A_574, %jit3A_575, %jit3A_572 : i32
      %rem3A_577 = arith.remsi %sub3A_531, %select_n3A_576 : i32
      %ne3A_578 = arith.constant 0 : i32
      %ne3A_579 = arith.cmpi ne, %rem3A_577, %ne3A_578 : i32
      %lt3A_580 = arith.constant 0 : i32
      %lt3A_581 = arith.cmpi slt, %rem3A_577, %lt3A_580 : i32
      %lt3A_582 = arith.constant 0 : i32
      %lt3A_583 = arith.cmpi slt, %select_n3A_576, %lt3A_582 : i32
      %ne3A_584 = arith.xori %lt3A_581, %lt3A_583 : i1
      %and3A_585 = arith.andi %ne3A_584, %ne3A_579 : i1
      %add3A_586 = arith.addi %rem3A_577, %select_n3A_576 : i32
      %select_n3A_587 = arith.select %and3A_585, %add3A_586, %rem3A_577 : i32
      %mul3A_588 = arith.constant 1000 : i32
      %mul3A_589 = arith.muli %select_n3A_555, %mul3A_588 : i32
      %multiple_of3A_590 = tpu.assume_multiple %mul3A_589, 8 : i32
      %jit3A_591 = arith.constant 2 : i32
      %eq3A_592 = arith.constant 0 : i32
      %eq3A_593 = arith.cmpi eq, %jit3A_591, %eq3A_592 : i32
      %jit3A_594 = arith.constant 1 : i32
      %select_n3A_595 = arith.select %eq3A_593, %jit3A_594, %jit3A_591 : i32
      %rem3A_596 = arith.remsi %select_n3A_555, %select_n3A_595 : i32
      %ne3A_597 = arith.constant 0 : i32
      %ne3A_598 = arith.cmpi ne, %rem3A_596, %ne3A_597 : i32
      %lt3A_599 = arith.constant 0 : i32
      %lt3A_600 = arith.cmpi slt, %rem3A_596, %lt3A_599 : i32
      %lt3A_601 = arith.constant 0 : i32
      %lt3A_602 = arith.cmpi slt, %select_n3A_595, %lt3A_601 : i32
      %ne3A_603 = arith.xori %lt3A_600, %lt3A_602 : i1
      %and3A_604 = arith.andi %ne3A_603, %ne3A_598 : i1
      %add3A_605 = arith.addi %rem3A_596, %select_n3A_595 : i32
      %select_n3A_606 = arith.select %and3A_604, %add3A_605, %rem3A_596 : i32
      %mul3A_607 = arith.constant 1024 : i32
      %mul3A_608 = arith.muli %select_n3A_606, %mul3A_607 : i32
      %mul3A_609 = arith.constant 32 : i32
      %mul3A_610 = arith.muli %select_n3A_571, %mul3A_609 : i32
      %add3A_611 = arith.addi %mul3A_608, %mul3A_610 : i32
      %dma_wait3A_612 = arith.constant 0 : i32
      %dma_wait3A_613 = arith.constant 0 : i32
      %dma_wait3A_614 = tpu.memref_slice %arg7[%select_n3A_587, %dma_wait3A_612, %dma_wait3A_613] : memref<6x32x128xf32, #tpu.memory_space<vmem>> -> memref<1x32x128xf32, #tpu.memory_space<vmem>>
      %dma_wait3A_615 = tpu.memref_squeeze %dma_wait3A_614 : memref<1x32x128xf32, #tpu.memory_space<vmem>> -> memref<32x128xf32, #tpu.memory_space<vmem>>
      %dma_wait3A_616 = tpu.memref_slice %arg6[%add3A_611] : memref<2048xi32, #tpu.memory_space<vmem>> -> memref<32xi32, #tpu.memory_space<vmem>>
      %dma_wait3A_617 = arith.constant 0 : i32
      %dma_wait3A_618 = tpu.memref_slice %arg5[%multiple_of3A_590, %dma_wait3A_617] : memref<13000x128xf32, #tpu.memory_space<vmem_shared>> -> memref<1000x128xf32, #tpu.memory_space<vmem_shared>>
      %dma_wait3A_619 = arith.constant 0 : i32
      %dma_wait3A_620 = arith.constant 0 : i32
      %dma_wait3A_621 = tpu.memref_slice %dma_wait3A_618[%dma_wait3A_619, %dma_wait3A_620] : memref<1000x128xf32, #tpu.memory_space<vmem_shared>> -> memref<1000x128xf32, #tpu.memory_space<vmem_shared>>
      %dma_wait3A_622 = tpu.memref_slice %arg9[%select_n3A_587] : memref<6x!tpu.dma_semaphore, #tpu.memory_space<semaphore_mem>> -> memref<1x!tpu.dma_semaphore, #tpu.memory_space<semaphore_mem>>
      %dma_wait3A_623 = tpu.memref_squeeze %dma_wait3A_622 : memref<1x!tpu.dma_semaphore, #tpu.memory_space<semaphore_mem>> -> memref<!tpu.dma_semaphore, #tpu.memory_space<semaphore_mem>>
      tpu.wait_indirect_dma semaphore(%dma_wait3A_623 : memref<!tpu.dma_semaphore, #tpu.memory_space<semaphore_mem>>) src(%dma_wait3A_621 : memref<1000x128xf32, #tpu.memory_space<vmem_shared>>) dst(%dma_wait3A_615 : memref<32x128xf32, #tpu.memory_space<vmem>>)
      %sub3A_624 = arith.constant 3 : i32
      %sub3A_625 = arith.subi %add3A_498, %sub3A_624 : i32
      %jit3A_626 = arith.constant 32 : i32
      %div3A_627 = arith.divsi %sub3A_625, %jit3A_626 : i32
      %sign3A_628 = arith.constant 0 : i32
      %sign3A_629 = arith.cmpi sgt, %sub3A_625, %sign3A_628 : i32
      %sign3A_630 = arith.extui %sign3A_629 : i1 to i32
      %sign3A_631 = arith.constant 0 : i32
      %sign3A_632 = arith.cmpi slt, %sub3A_625, %sign3A_631 : i32
      %sign3A_633 = arith.extui %sign3A_632 : i1 to i32
      %sign3A_634 = arith.subi %sign3A_630, %sign3A_633 : i32
      %sign3A_635 = arith.constant 0 : i32
      %sign3A_636 = arith.cmpi sgt, %jit3A_626, %sign3A_635 : i32
      %sign3A_637 = arith.extui %sign3A_636 : i1 to i32
      %sign3A_638 = arith.constant 0 : i32
      %sign3A_639 = arith.cmpi slt, %jit3A_626, %sign3A_638 : i32
      %sign3A_640 = arith.extui %sign3A_639 : i1 to i32
      %sign3A_641 = arith.subi %sign3A_637, %sign3A_640 : i32
      %ne3A_642 = arith.cmpi ne, %sign3A_634, %sign3A_641 : i32
      %rem3A_643 = arith.remsi %sub3A_625, %jit3A_626 : i32
      %ne3A_644 = arith.constant 0 : i32
      %ne3A_645 = arith.cmpi ne, %rem3A_643, %ne3A_644 : i32
      %and3A_646 = arith.andi %ne3A_642, %ne3A_645 : i1
      %sub3A_647 = arith.constant 1 : i32
      %sub3A_648 = arith.subi %div3A_627, %sub3A_647 : i32
      %select_n3A_649 = arith.select %and3A_646, %sub3A_648, %div3A_627 : i32
      %jit3A_650 = arith.constant 32 : i32
      %eq3A_651 = arith.constant 0 : i32
      %eq3A_652 = arith.cmpi eq, %jit3A_650, %eq3A_651 : i32
      %jit3A_653 = arith.constant 1 : i32
      %select_n3A_654 = arith.select %eq3A_652, %jit3A_653, %jit3A_650 : i32
      %rem3A_655 = arith.remsi %sub3A_625, %select_n3A_654 : i32
      %ne3A_656 = arith.constant 0 : i32
      %ne3A_657 = arith.cmpi ne, %rem3A_655, %ne3A_656 : i32
      %lt3A_658 = arith.constant 0 : i32
      %lt3A_659 = arith.cmpi slt, %rem3A_655, %lt3A_658 : i32
      %lt3A_660 = arith.constant 0 : i32
      %lt3A_661 = arith.cmpi slt, %select_n3A_654, %lt3A_660 : i32
      %ne3A_662 = arith.xori %lt3A_659, %lt3A_661 : i1
      %and3A_663 = arith.andi %ne3A_662, %ne3A_657 : i1
      %add3A_664 = arith.addi %rem3A_655, %select_n3A_654 : i32
      %select_n3A_665 = arith.select %and3A_663, %add3A_664, %rem3A_655 : i32
      %jit3A_666 = arith.constant 6 : i32
      %eq3A_667 = arith.constant 0 : i32
      %eq3A_668 = arith.cmpi eq, %jit3A_666, %eq3A_667 : i32
      %jit3A_669 = arith.constant 1 : i32
      %select_n3A_670 = arith.select %eq3A_668, %jit3A_669, %jit3A_666 : i32
      %rem3A_671 = arith.remsi %sub3A_625, %select_n3A_670 : i32
      %ne3A_672 = arith.constant 0 : i32
      %ne3A_673 = arith.cmpi ne, %rem3A_671, %ne3A_672 : i32
      %lt3A_674 = arith.constant 0 : i32
      %lt3A_675 = arith.cmpi slt, %rem3A_671, %lt3A_674 : i32
      %lt3A_676 = arith.constant 0 : i32
      %lt3A_677 = arith.cmpi slt, %select_n3A_670, %lt3A_676 : i32
      %ne3A_678 = arith.xori %lt3A_675, %lt3A_677 : i1
      %and3A_679 = arith.andi %ne3A_678, %ne3A_673 : i1
      %add3A_680 = arith.addi %rem3A_671, %select_n3A_670 : i32
      %select_n3A_681 = arith.select %and3A_679, %add3A_680, %rem3A_671 : i32
      %mul3A_682 = arith.constant 32 : i32
      %mul3A_683 = arith.muli %select_n3A_665, %mul3A_682 : i32
      %add3A_684 = arith.addi %mul3A_0, %mul3A_683 : i32
      %add3A_685 = arith.addi %mul3A_2, %select_n3A_649 : i32
      %mul3A_686 = arith.constant 128 : i32
      %mul3A_687 = arith.muli %add3A_685, %mul3A_686 : i32
      %dma_start3A_688 = arith.constant 0 : i32
      %dma_start3A_689 = arith.constant 0 : i32
      %dma_start3A_690 = tpu.memref_slice %arg7[%select_n3A_681, %dma_start3A_688, %dma_start3A_689] : memref<6x32x128xf32, #tpu.memory_space<vmem>> -> memref<1x32x128xf32, #tpu.memory_space<vmem>>
      %dma_start3A_691 = tpu.memref_squeeze %dma_start3A_690 : memref<1x32x128xf32, #tpu.memory_space<vmem>> -> memref<32x128xf32, #tpu.memory_space<vmem>>
      %dma_start3A_692 = tpu.memref_slice %arg4[%add3A_684, %mul3A_687] : memref<16384x3328xf32, #tpu.memory_space<hbm>> -> memref<32x128xf32, #tpu.memory_space<hbm>>
      %dma_start3A_693 = tpu.memref_slice %arg10[%select_n3A_681] : memref<6x!tpu.dma_semaphore, #tpu.memory_space<semaphore_mem>> -> memref<1x!tpu.dma_semaphore, #tpu.memory_space<semaphore_mem>>
      %dma_start3A_694 = tpu.memref_squeeze %dma_start3A_693 : memref<1x!tpu.dma_semaphore, #tpu.memory_space<semaphore_mem>> -> memref<!tpu.dma_semaphore, #tpu.memory_space<semaphore_mem>>
      %dma_start3A_695 = tpu.memref_slice %arg4[%add3A_684, %mul3A_687] : memref<16384x3328xf32, #tpu.memory_space<hbm>> -> memref<32x128xf32, #tpu.memory_space<hbm>>
      %dma_start3A_696 = arith.constant 0 : i32
      %dma_start3A_697 = arith.constant 0 : i32
      %dma_start3A_698 = tpu.memref_slice %arg7[%select_n3A_681, %dma_start3A_696, %dma_start3A_697] : memref<6x32x128xf32, #tpu.memory_space<vmem>> -> memref<1x32x128xf32, #tpu.memory_space<vmem>>
      %dma_start3A_699 = tpu.memref_squeeze %dma_start3A_698 : memref<1x32x128xf32, #tpu.memory_space<vmem>> -> memref<32x128xf32, #tpu.memory_space<vmem>>
      tpu.enqueue_dma source(%dma_start3A_699 : memref<32x128xf32, #tpu.memory_space<vmem>>) target(%dma_start3A_695 : memref<32x128xf32, #tpu.memory_space<hbm>>) target_semaphore(%dma_start3A_694 : memref<!tpu.dma_semaphore, #tpu.memory_space<semaphore_mem>>)
      %eq3A_700 = arith.constant 2 : i32
      %eq3A_701 = arith.cmpi eq, %select_n3A_529, %eq3A_700 : i32
      %ge3A = arith.constant 1 : i32
      %ge3A_702 = arith.cmpi sge, %select_n3A, %ge3A : i32
      %and3A_703 = arith.andi %eq3A_701, %ge3A_702 : i1
      %lt3A_704 = arith.constant 12 : i32
      %lt3A_705 = arith.cmpi slt, %select_n3A, %lt3A_704 : i32
      %and3A_706 = arith.andi %and3A_703, %lt3A_705 : i1
      %convert_element_type3A_707 = arith.extui %and3A_706 : i1 to i32
      %cond3A_708 = arith.constant 0 : i32
      %cond3A_709 = arith.cmpi ne, %convert_element_type3A_707, %cond3A_708 : i32
      scf.if %cond3A_709 {
        %add3A_1288 = arith.constant 1 : i32
        %add3A_1289 = arith.addi %select_n3A, %add3A_1288 : i32
        %jit3A_1290 = arith.constant 2 : i32
        %eq3A_1291 = arith.constant 0 : i32
        %eq3A_1292 = arith.cmpi eq, %jit3A_1290, %eq3A_1291 : i32
        %jit3A_1293 = arith.constant 1 : i32
        %select_n3A_1294 = arith.select %eq3A_1292, %jit3A_1293, %jit3A_1290 : i32
        %rem3A_1295 = arith.remsi %add3A_1289, %select_n3A_1294 : i32
        %ne3A_1296 = arith.constant 0 : i32
        %ne3A_1297 = arith.cmpi ne, %rem3A_1295, %ne3A_1296 : i32
        %lt3A_1298 = arith.constant 0 : i32
        %lt3A_1299 = arith.cmpi slt, %rem3A_1295, %lt3A_1298 : i32
        %lt3A_1300 = arith.constant 0 : i32
        %lt3A_1301 = arith.cmpi slt, %select_n3A_1294, %lt3A_1300 : i32
        %ne3A_1302 = arith.xori %lt3A_1299, %lt3A_1301 : i1
        %and3A_1303 = arith.andi %ne3A_1302, %ne3A_1297 : i1
        %add3A_1304 = arith.addi %rem3A_1295, %select_n3A_1294 : i32
        %select_n3A_1305 = arith.select %and3A_1303, %add3A_1304, %rem3A_1295 : i32
        %add3A_1306 = arith.addi %mul3A_2, %add3A_1289 : i32
        %mul3A_1307 = arith.constant 16384 : i32
        %mul3A_1308 = arith.muli %add3A_1306, %mul3A_1307 : i32
        %add3A_1309 = arith.addi %mul3A_1308, %mul3A_0 : i32
        %mul3A_1310 = arith.constant 1024 : i32
        %mul3A_1311 = arith.muli %select_n3A_1305, %mul3A_1310 : i32
        %multiple_of3A_1312 = tpu.assume_multiple %mul3A_1311, 8 : i32
        %dma_start3A_1313 = tpu.memref_slice %arg6[%multiple_of3A_1312] : memref<2048xi32, #tpu.memory_space<vmem>> -> memref<1024xi32, #tpu.memory_space<vmem>>
        %dma_start3A_1314 = tpu.memref_slice %arg2[%add3A_1309] : memref<425984xi32, #tpu.memory_space<hbm>> -> memref<1024xi32, #tpu.memory_space<hbm>>
        %dma_start3A_1315 = tpu.memref_slice %arg8[%select_n3A_1305] : memref<2x!tpu.dma_semaphore, #tpu.memory_space<semaphore_mem>> -> memref<1x!tpu.dma_semaphore, #tpu.memory_space<semaphore_mem>>
        %dma_start3A_1316 = tpu.memref_squeeze %dma_start3A_1315 : memref<1x!tpu.dma_semaphore, #tpu.memory_space<semaphore_mem>> -> memref<!tpu.dma_semaphore, #tpu.memory_space<semaphore_mem>>
        %dma_start3A_1317 = tpu.memref_slice %arg6[%multiple_of3A_1312] : memref<2048xi32, #tpu.memory_space<vmem>> -> memref<1024xi32, #tpu.memory_space<vmem>>
        %dma_start3A_1318 = tpu.memref_slice %arg2[%add3A_1309] : memref<425984xi32, #tpu.memory_space<hbm>> -> memref<1024xi32, #tpu.memory_space<hbm>>
        tpu.enqueue_dma source(%dma_start3A_1318 : memref<1024xi32, #tpu.memory_space<hbm>>) target(%dma_start3A_1317 : memref<1024xi32, #tpu.memory_space<vmem>>) target_semaphore(%dma_start3A_1316 : memref<!tpu.dma_semaphore, #tpu.memory_space<semaphore_mem>>)
      } else {
      }
      %eq3A_710 = arith.constant 0 : i32
      %eq3A_711 = arith.cmpi eq, %select_n3A_529, %eq3A_710 : i32
      %ge3A_712 = arith.constant 1 : i32
      %ge3A_713 = arith.cmpi sge, %select_n3A, %ge3A_712 : i32
      %and3A_714 = arith.andi %eq3A_711, %ge3A_713 : i1
      %convert_element_type3A_715 = arith.extui %and3A_714 : i1 to i32
      %cond3A_716 = arith.constant 0 : i32
      %cond3A_717 = arith.cmpi ne, %convert_element_type3A_715, %cond3A_716 : i32
      scf.if %cond3A_717 {
        %jit3A_1288 = arith.constant 2 : i32
        %eq3A_1289 = arith.constant 0 : i32
        %eq3A_1290 = arith.cmpi eq, %jit3A_1288, %eq3A_1289 : i32
        %jit3A_1291 = arith.constant 1 : i32
        %select_n3A_1292 = arith.select %eq3A_1290, %jit3A_1291, %jit3A_1288 : i32
        %rem3A_1293 = arith.remsi %select_n3A, %select_n3A_1292 : i32
        %ne3A_1294 = arith.constant 0 : i32
        %ne3A_1295 = arith.cmpi ne, %rem3A_1293, %ne3A_1294 : i32
        %lt3A_1296 = arith.constant 0 : i32
        %lt3A_1297 = arith.cmpi slt, %rem3A_1293, %lt3A_1296 : i32
        %lt3A_1298 = arith.constant 0 : i32
        %lt3A_1299 = arith.cmpi slt, %select_n3A_1292, %lt3A_1298 : i32
        %ne3A_1300 = arith.xori %lt3A_1297, %lt3A_1299 : i1
        %and3A_1301 = arith.andi %ne3A_1300, %ne3A_1295 : i1
        %add3A_1302 = arith.addi %rem3A_1293, %select_n3A_1292 : i32
        %select_n3A_1303 = arith.select %and3A_1301, %add3A_1302, %rem3A_1293 : i32
        %add3A_1304 = arith.addi %mul3A_2, %select_n3A : i32
        %mul3A_1305 = arith.constant 16384 : i32
        %mul3A_1306 = arith.muli %add3A_1304, %mul3A_1305 : i32
        %add3A_1307 = arith.addi %mul3A_1306, %mul3A_0 : i32
        %mul3A_1308 = arith.constant 1024 : i32
        %mul3A_1309 = arith.muli %select_n3A_1303, %mul3A_1308 : i32
        %multiple_of3A_1310 = tpu.assume_multiple %mul3A_1309, 8 : i32
        %dma_wait3A_1311 = tpu.memref_slice %arg6[%multiple_of3A_1310] : memref<2048xi32, #tpu.memory_space<vmem>> -> memref<1024xi32, #tpu.memory_space<vmem>>
        %dma_wait3A_1312 = tpu.memref_slice %arg2[%add3A_1307] : memref<425984xi32, #tpu.memory_space<hbm>> -> memref<1024xi32, #tpu.memory_space<hbm>>
        %dma_wait3A_1313 = tpu.memref_slice %arg8[%select_n3A_1303] : memref<2x!tpu.dma_semaphore, #tpu.memory_space<semaphore_mem>> -> memref<1x!tpu.dma_semaphore, #tpu.memory_space<semaphore_mem>>
        %dma_wait3A_1314 = tpu.memref_squeeze %dma_wait3A_1313 : memref<1x!tpu.dma_semaphore, #tpu.memory_space<semaphore_mem>> -> memref<!tpu.dma_semaphore, #tpu.memory_space<semaphore_mem>>
        %dma_wait3A_1315 = tpu.memref_slice %arg6[%multiple_of3A_1310] : memref<2048xi32, #tpu.memory_space<vmem>> -> memref<1024xi32, #tpu.memory_space<vmem>>
        %dma_wait3A_1316 = tpu.memref_slice %arg2[%add3A_1307] : memref<425984xi32, #tpu.memory_space<hbm>> -> memref<1024xi32, #tpu.memory_space<hbm>>
        tpu.wait_dma2 semaphore(%dma_wait3A_1314 : memref<!tpu.dma_semaphore, #tpu.memory_space<semaphore_mem>>) src(%dma_wait3A_1316 : memref<1024xi32, #tpu.memory_space<hbm>>) dst(%dma_wait3A_1315 : memref<1024xi32, #tpu.memory_space<vmem>>)
      } else {
      }
      %sub3A_718 = arith.constant 6 : i32
      %sub3A_719 = arith.subi %add3A_498, %sub3A_718 : i32
      %jit3A_720 = arith.constant 32 : i32
      %div3A_721 = arith.divsi %sub3A_719, %jit3A_720 : i32
      %sign3A_722 = arith.constant 0 : i32
      %sign3A_723 = arith.cmpi sgt, %sub3A_719, %sign3A_722 : i32
      %sign3A_724 = arith.extui %sign3A_723 : i1 to i32
      %sign3A_725 = arith.constant 0 : i32
      %sign3A_726 = arith.cmpi slt, %sub3A_719, %sign3A_725 : i32
      %sign3A_727 = arith.extui %sign3A_726 : i1 to i32
      %sign3A_728 = arith.subi %sign3A_724, %sign3A_727 : i32
      %sign3A_729 = arith.constant 0 : i32
      %sign3A_730 = arith.cmpi sgt, %jit3A_720, %sign3A_729 : i32
      %sign3A_731 = arith.extui %sign3A_730 : i1 to i32
      %sign3A_732 = arith.constant 0 : i32
      %sign3A_733 = arith.cmpi slt, %jit3A_720, %sign3A_732 : i32
      %sign3A_734 = arith.extui %sign3A_733 : i1 to i32
      %sign3A_735 = arith.subi %sign3A_731, %sign3A_734 : i32
      %ne3A_736 = arith.cmpi ne, %sign3A_728, %sign3A_735 : i32
      %rem3A_737 = arith.remsi %sub3A_719, %jit3A_720 : i32
      %ne3A_738 = arith.constant 0 : i32
      %ne3A_739 = arith.cmpi ne, %rem3A_737, %ne3A_738 : i32
      %and3A_740 = arith.andi %ne3A_736, %ne3A_739 : i1
      %sub3A_741 = arith.constant 1 : i32
      %sub3A_742 = arith.subi %div3A_721, %sub3A_741 : i32
      %select_n3A_743 = arith.select %and3A_740, %sub3A_742, %div3A_721 : i32
      %jit3A_744 = arith.constant 32 : i32
      %eq3A_745 = arith.constant 0 : i32
      %eq3A_746 = arith.cmpi eq, %jit3A_744, %eq3A_745 : i32
      %jit3A_747 = arith.constant 1 : i32
      %select_n3A_748 = arith.select %eq3A_746, %jit3A_747, %jit3A_744 : i32
      %rem3A_749 = arith.remsi %sub3A_719, %select_n3A_748 : i32
      %ne3A_750 = arith.constant 0 : i32
      %ne3A_751 = arith.cmpi ne, %rem3A_749, %ne3A_750 : i32
      %lt3A_752 = arith.constant 0 : i32
      %lt3A_753 = arith.cmpi slt, %rem3A_749, %lt3A_752 : i32
      %lt3A_754 = arith.constant 0 : i32
      %lt3A_755 = arith.cmpi slt, %select_n3A_748, %lt3A_754 : i32
      %ne3A_756 = arith.xori %lt3A_753, %lt3A_755 : i1
      %and3A_757 = arith.andi %ne3A_756, %ne3A_751 : i1
      %add3A_758 = arith.addi %rem3A_749, %select_n3A_748 : i32
      %select_n3A_759 = arith.select %and3A_757, %add3A_758, %rem3A_749 : i32
      %jit3A_760 = arith.constant 6 : i32
      %eq3A_761 = arith.constant 0 : i32
      %eq3A_762 = arith.cmpi eq, %jit3A_760, %eq3A_761 : i32
      %jit3A_763 = arith.constant 1 : i32
      %select_n3A_764 = arith.select %eq3A_762, %jit3A_763, %jit3A_760 : i32
      %rem3A_765 = arith.remsi %sub3A_719, %select_n3A_764 : i32
      %ne3A_766 = arith.constant 0 : i32
      %ne3A_767 = arith.cmpi ne, %rem3A_765, %ne3A_766 : i32
      %lt3A_768 = arith.constant 0 : i32
      %lt3A_769 = arith.cmpi slt, %rem3A_765, %lt3A_768 : i32
      %lt3A_770 = arith.constant 0 : i32
      %lt3A_771 = arith.cmpi slt, %select_n3A_764, %lt3A_770 : i32
      %ne3A_772 = arith.xori %lt3A_769, %lt3A_771 : i1
      %and3A_773 = arith.andi %ne3A_772, %ne3A_767 : i1
      %add3A_774 = arith.addi %rem3A_765, %select_n3A_764 : i32
      %select_n3A_775 = arith.select %and3A_773, %add3A_774, %rem3A_765 : i32
      %mul3A_776 = arith.constant 32 : i32
      %mul3A_777 = arith.muli %select_n3A_759, %mul3A_776 : i32
      %add3A_778 = arith.addi %mul3A_0, %mul3A_777 : i32
      %add3A_779 = arith.addi %mul3A_2, %select_n3A_743 : i32
      %mul3A_780 = arith.constant 128 : i32
      %mul3A_781 = arith.muli %add3A_779, %mul3A_780 : i32
      %dma_wait3A_782 = arith.constant 0 : i32
      %dma_wait3A_783 = arith.constant 0 : i32
      %dma_wait3A_784 = tpu.memref_slice %arg7[%select_n3A_775, %dma_wait3A_782, %dma_wait3A_783] : memref<6x32x128xf32, #tpu.memory_space<vmem>> -> memref<1x32x128xf32, #tpu.memory_space<vmem>>
      %dma_wait3A_785 = tpu.memref_squeeze %dma_wait3A_784 : memref<1x32x128xf32, #tpu.memory_space<vmem>> -> memref<32x128xf32, #tpu.memory_space<vmem>>
      %dma_wait3A_786 = tpu.memref_slice %arg4[%add3A_778, %mul3A_781] : memref<16384x3328xf32, #tpu.memory_space<hbm>> -> memref<32x128xf32, #tpu.memory_space<hbm>>
      %dma_wait3A_787 = tpu.memref_slice %arg10[%select_n3A_775] : memref<6x!tpu.dma_semaphore, #tpu.memory_space<semaphore_mem>> -> memref<1x!tpu.dma_semaphore, #tpu.memory_space<semaphore_mem>>
      %dma_wait3A_788 = tpu.memref_squeeze %dma_wait3A_787 : memref<1x!tpu.dma_semaphore, #tpu.memory_space<semaphore_mem>> -> memref<!tpu.dma_semaphore, #tpu.memory_space<semaphore_mem>>
      %dma_wait3A_789 = tpu.memref_slice %arg4[%add3A_778, %mul3A_781] : memref<16384x3328xf32, #tpu.memory_space<hbm>> -> memref<32x128xf32, #tpu.memory_space<hbm>>
      %dma_wait3A_790 = arith.constant 0 : i32
      %dma_wait3A_791 = arith.constant 0 : i32
      %dma_wait3A_792 = tpu.memref_slice %arg7[%select_n3A_775, %dma_wait3A_790, %dma_wait3A_791] : memref<6x32x128xf32, #tpu.memory_space<vmem>> -> memref<1x32x128xf32, #tpu.memory_space<vmem>>
      %dma_wait3A_793 = tpu.memref_squeeze %dma_wait3A_792 : memref<1x32x128xf32, #tpu.memory_space<vmem>> -> memref<32x128xf32, #tpu.memory_space<vmem>>
      tpu.wait_dma2 semaphore(%dma_wait3A_788 : memref<!tpu.dma_semaphore, #tpu.memory_space<semaphore_mem>>) src(%dma_wait3A_793 : memref<32x128xf32, #tpu.memory_space<vmem>>) dst(%dma_wait3A_789 : memref<32x128xf32, #tpu.memory_space<hbm>>)
      %jit3A_794 = arith.constant 32 : i32
      %div3A_795 = arith.divsi %add3A_498, %jit3A_794 : i32
      %sign3A_796 = arith.constant 0 : i32
      %sign3A_797 = arith.cmpi sgt, %add3A_498, %sign3A_796 : i32
      %sign3A_798 = arith.extui %sign3A_797 : i1 to i32
      %sign3A_799 = arith.constant 0 : i32
      %sign3A_800 = arith.cmpi slt, %add3A_498, %sign3A_799 : i32
      %sign3A_801 = arith.extui %sign3A_800 : i1 to i32
      %sign3A_802 = arith.subi %sign3A_798, %sign3A_801 : i32
      %sign3A_803 = arith.constant 0 : i32
      %sign3A_804 = arith.cmpi sgt, %jit3A_794, %sign3A_803 : i32
      %sign3A_805 = arith.extui %sign3A_804 : i1 to i32
      %sign3A_806 = arith.constant 0 : i32
      %sign3A_807 = arith.cmpi slt, %jit3A_794, %sign3A_806 : i32
      %sign3A_808 = arith.extui %sign3A_807 : i1 to i32
      %sign3A_809 = arith.subi %sign3A_805, %sign3A_808 : i32
      %ne3A_810 = arith.cmpi ne, %sign3A_802, %sign3A_809 : i32
      %rem3A_811 = arith.remsi %add3A_498, %jit3A_794 : i32
      %ne3A_812 = arith.constant 0 : i32
      %ne3A_813 = arith.cmpi ne, %rem3A_811, %ne3A_812 : i32
      %and3A_814 = arith.andi %ne3A_810, %ne3A_813 : i1
      %sub3A_815 = arith.constant 1 : i32
      %sub3A_816 = arith.subi %div3A_795, %sub3A_815 : i32
      %select_n3A_817 = arith.select %and3A_814, %sub3A_816, %div3A_795 : i32
      %jit3A_818 = arith.constant 32 : i32
      %eq3A_819 = arith.constant 0 : i32
      %eq3A_820 = arith.cmpi eq, %jit3A_818, %eq3A_819 : i32
      %jit3A_821 = arith.constant 1 : i32
      %select_n3A_822 = arith.select %eq3A_820, %jit3A_821, %jit3A_818 : i32
      %rem3A_823 = arith.remsi %add3A_498, %select_n3A_822 : i32
      %ne3A_824 = arith.constant 0 : i32
      %ne3A_825 = arith.cmpi ne, %rem3A_823, %ne3A_824 : i32
      %lt3A_826 = arith.constant 0 : i32
      %lt3A_827 = arith.cmpi slt, %rem3A_823, %lt3A_826 : i32
      %lt3A_828 = arith.constant 0 : i32
      %lt3A_829 = arith.cmpi slt, %select_n3A_822, %lt3A_828 : i32
      %ne3A_830 = arith.xori %lt3A_827, %lt3A_829 : i1
      %and3A_831 = arith.andi %ne3A_830, %ne3A_825 : i1
      %add3A_832 = arith.addi %rem3A_823, %select_n3A_822 : i32
      %select_n3A_833 = arith.select %and3A_831, %add3A_832, %rem3A_823 : i32
      %jit3A_834 = arith.constant 6 : i32
      %eq3A_835 = arith.constant 0 : i32
      %eq3A_836 = arith.cmpi eq, %jit3A_834, %eq3A_835 : i32
      %jit3A_837 = arith.constant 1 : i32
      %select_n3A_838 = arith.select %eq3A_836, %jit3A_837, %jit3A_834 : i32
      %rem3A_839 = arith.remsi %add3A_498, %select_n3A_838 : i32
      %ne3A_840 = arith.constant 0 : i32
      %ne3A_841 = arith.cmpi ne, %rem3A_839, %ne3A_840 : i32
      %lt3A_842 = arith.constant 0 : i32
      %lt3A_843 = arith.cmpi slt, %rem3A_839, %lt3A_842 : i32
      %lt3A_844 = arith.constant 0 : i32
      %lt3A_845 = arith.cmpi slt, %select_n3A_838, %lt3A_844 : i32
      %ne3A_846 = arith.xori %lt3A_843, %lt3A_845 : i1
      %and3A_847 = arith.andi %ne3A_846, %ne3A_841 : i1
      %add3A_848 = arith.addi %rem3A_839, %select_n3A_838 : i32
      %select_n3A_849 = arith.select %and3A_847, %add3A_848, %rem3A_839 : i32
      %mul3A_850 = arith.constant 1000 : i32
      %mul3A_851 = arith.muli %select_n3A_817, %mul3A_850 : i32
      %multiple_of3A_852 = tpu.assume_multiple %mul3A_851, 8 : i32
      %jit3A_853 = arith.constant 2 : i32
      %eq3A_854 = arith.constant 0 : i32
      %eq3A_855 = arith.cmpi eq, %jit3A_853, %eq3A_854 : i32
      %jit3A_856 = arith.constant 1 : i32
      %select_n3A_857 = arith.select %eq3A_855, %jit3A_856, %jit3A_853 : i32
      %rem3A_858 = arith.remsi %select_n3A_817, %select_n3A_857 : i32
      %ne3A_859 = arith.constant 0 : i32
      %ne3A_860 = arith.cmpi ne, %rem3A_858, %ne3A_859 : i32
      %lt3A_861 = arith.constant 0 : i32
      %lt3A_862 = arith.cmpi slt, %rem3A_858, %lt3A_861 : i32
      %lt3A_863 = arith.constant 0 : i32
      %lt3A_864 = arith.cmpi slt, %select_n3A_857, %lt3A_863 : i32
      %ne3A_865 = arith.xori %lt3A_862, %lt3A_864 : i1
      %and3A_866 = arith.andi %ne3A_865, %ne3A_860 : i1
      %add3A_867 = arith.addi %rem3A_858, %select_n3A_857 : i32
      %select_n3A_868 = arith.select %and3A_866, %add3A_867, %rem3A_858 : i32
      %mul3A_869 = arith.constant 1024 : i32
      %mul3A_870 = arith.muli %select_n3A_868, %mul3A_869 : i32
      %mul3A_871 = arith.constant 32 : i32
      %mul3A_872 = arith.muli %select_n3A_833, %mul3A_871 : i32
      %add3A_873 = arith.addi %mul3A_870, %mul3A_872 : i32
      %dma_start3A_874 = arith.constant 0 : i32
      %dma_start3A_875 = arith.constant 0 : i32
      %dma_start3A_876 = tpu.memref_slice %arg7[%select_n3A_849, %dma_start3A_874, %dma_start3A_875] : memref<6x32x128xf32, #tpu.memory_space<vmem>> -> memref<1x32x128xf32, #tpu.memory_space<vmem>>
      %dma_start3A_877 = tpu.memref_squeeze %dma_start3A_876 : memref<1x32x128xf32, #tpu.memory_space<vmem>> -> memref<32x128xf32, #tpu.memory_space<vmem>>
      %dma_start3A_878 = tpu.memref_slice %arg6[%add3A_873] : memref<2048xi32, #tpu.memory_space<vmem>> -> memref<32xi32, #tpu.memory_space<vmem>>
      %dma_start3A_879 = arith.constant 0 : i32
      %dma_start3A_880 = tpu.memref_slice %arg5[%multiple_of3A_852, %dma_start3A_879] : memref<13000x128xf32, #tpu.memory_space<vmem_shared>> -> memref<1000x128xf32, #tpu.memory_space<vmem_shared>>
      %dma_start3A_881 = arith.constant 0 : i32
      %dma_start3A_882 = arith.constant 0 : i32
      %dma_start3A_883 = tpu.memref_slice %dma_start3A_880[%dma_start3A_881, %dma_start3A_882] : memref<1000x128xf32, #tpu.memory_space<vmem_shared>> -> memref<1000x128xf32, #tpu.memory_space<vmem_shared>>
      %dma_start3A_884 = tpu.memref_slice %arg9[%select_n3A_849] : memref<6x!tpu.dma_semaphore, #tpu.memory_space<semaphore_mem>> -> memref<1x!tpu.dma_semaphore, #tpu.memory_space<semaphore_mem>>
      %dma_start3A_885 = tpu.memref_squeeze %dma_start3A_884 : memref<1x!tpu.dma_semaphore, #tpu.memory_space<semaphore_mem>> -> memref<!tpu.dma_semaphore, #tpu.memory_space<semaphore_mem>>
      tpu.enqueue_indirect_dma source(%dma_start3A_883 : memref<1000x128xf32, #tpu.memory_space<vmem_shared>>) target(%dma_start3A_877 : memref<32x128xf32, #tpu.memory_space<vmem>>) offsets(%dma_start3A_878 : memref<32xi32, #tpu.memory_space<vmem>>) semaphore(%dma_start3A_885 : memref<!tpu.dma_semaphore, #tpu.memory_space<semaphore_mem>>)
      %mul3A_886 = arith.constant 2 : i32
      %mul3A_887 = arith.muli %mul3A_886, %scan3A_493 : i32
      %add3A_888 = arith.constant 1 : i32
      %add3A_889 = arith.addi %mul3A_887, %add3A_888 : i32
      %jit3A_890 = arith.constant 32 : i32
      %div3A_891 = arith.divsi %add3A_889, %jit3A_890 : i32
      %sign3A_892 = arith.constant 0 : i32
      %sign3A_893 = arith.cmpi sgt, %add3A_889, %sign3A_892 : i32
      %sign3A_894 = arith.extui %sign3A_893 : i1 to i32
      %sign3A_895 = arith.constant 0 : i32
      %sign3A_896 = arith.cmpi slt, %add3A_889, %sign3A_895 : i32
      %sign3A_897 = arith.extui %sign3A_896 : i1 to i32
      %sign3A_898 = arith.subi %sign3A_894, %sign3A_897 : i32
      %sign3A_899 = arith.constant 0 : i32
      %sign3A_900 = arith.cmpi sgt, %jit3A_890, %sign3A_899 : i32
      %sign3A_901 = arith.extui %sign3A_900 : i1 to i32
      %sign3A_902 = arith.constant 0 : i32
      %sign3A_903 = arith.cmpi slt, %jit3A_890, %sign3A_902 : i32
      %sign3A_904 = arith.extui %sign3A_903 : i1 to i32
      %sign3A_905 = arith.subi %sign3A_901, %sign3A_904 : i32
      %ne3A_906 = arith.cmpi ne, %sign3A_898, %sign3A_905 : i32
      %rem3A_907 = arith.remsi %add3A_889, %jit3A_890 : i32
      %ne3A_908 = arith.constant 0 : i32
      %ne3A_909 = arith.cmpi ne, %rem3A_907, %ne3A_908 : i32
      %and3A_910 = arith.andi %ne3A_906, %ne3A_909 : i1
      %sub3A_911 = arith.constant 1 : i32
      %sub3A_912 = arith.subi %div3A_891, %sub3A_911 : i32
      %select_n3A_913 = arith.select %and3A_910, %sub3A_912, %div3A_891 : i32
      %jit3A_914 = arith.constant 32 : i32
      %eq3A_915 = arith.constant 0 : i32
      %eq3A_916 = arith.cmpi eq, %jit3A_914, %eq3A_915 : i32
      %jit3A_917 = arith.constant 1 : i32
      %select_n3A_918 = arith.select %eq3A_916, %jit3A_917, %jit3A_914 : i32
      %rem3A_919 = arith.remsi %add3A_889, %select_n3A_918 : i32
      %ne3A_920 = arith.constant 0 : i32
      %ne3A_921 = arith.cmpi ne, %rem3A_919, %ne3A_920 : i32
      %lt3A_922 = arith.constant 0 : i32
      %lt3A_923 = arith.cmpi slt, %rem3A_919, %lt3A_922 : i32
      %lt3A_924 = arith.constant 0 : i32
      %lt3A_925 = arith.cmpi slt, %select_n3A_918, %lt3A_924 : i32
      %ne3A_926 = arith.xori %lt3A_923, %lt3A_925 : i1
      %and3A_927 = arith.andi %ne3A_926, %ne3A_921 : i1
      %add3A_928 = arith.addi %rem3A_919, %select_n3A_918 : i32
      %select_n3A_929 = arith.select %and3A_927, %add3A_928, %rem3A_919 : i32
      %sub3A_930 = arith.constant 3 : i32
      %sub3A_931 = arith.subi %add3A_889, %sub3A_930 : i32
      %jit3A_932 = arith.constant 32 : i32
      %div3A_933 = arith.divsi %sub3A_931, %jit3A_932 : i32
      %sign3A_934 = arith.constant 0 : i32
      %sign3A_935 = arith.cmpi sgt, %sub3A_931, %sign3A_934 : i32
      %sign3A_936 = arith.extui %sign3A_935 : i1 to i32
      %sign3A_937 = arith.constant 0 : i32
      %sign3A_938 = arith.cmpi slt, %sub3A_931, %sign3A_937 : i32
      %sign3A_939 = arith.extui %sign3A_938 : i1 to i32
      %sign3A_940 = arith.subi %sign3A_936, %sign3A_939 : i32
      %sign3A_941 = arith.constant 0 : i32
      %sign3A_942 = arith.cmpi sgt, %jit3A_932, %sign3A_941 : i32
      %sign3A_943 = arith.extui %sign3A_942 : i1 to i32
      %sign3A_944 = arith.constant 0 : i32
      %sign3A_945 = arith.cmpi slt, %jit3A_932, %sign3A_944 : i32
      %sign3A_946 = arith.extui %sign3A_945 : i1 to i32
      %sign3A_947 = arith.subi %sign3A_943, %sign3A_946 : i32
      %ne3A_948 = arith.cmpi ne, %sign3A_940, %sign3A_947 : i32
      %rem3A_949 = arith.remsi %sub3A_931, %jit3A_932 : i32
      %ne3A_950 = arith.constant 0 : i32
      %ne3A_951 = arith.cmpi ne, %rem3A_949, %ne3A_950 : i32
      %and3A_952 = arith.andi %ne3A_948, %ne3A_951 : i1
      %sub3A_953 = arith.constant 1 : i32
      %sub3A_954 = arith.subi %div3A_933, %sub3A_953 : i32
      %select_n3A_955 = arith.select %and3A_952, %sub3A_954, %div3A_933 : i32
      %jit3A_956 = arith.constant 32 : i32
      %eq3A_957 = arith.constant 0 : i32
      %eq3A_958 = arith.cmpi eq, %jit3A_956, %eq3A_957 : i32
      %jit3A_959 = arith.constant 1 : i32
      %select_n3A_960 = arith.select %eq3A_958, %jit3A_959, %jit3A_956 : i32
      %rem3A_961 = arith.remsi %sub3A_931, %select_n3A_960 : i32
      %ne3A_962 = arith.constant 0 : i32
      %ne3A_963 = arith.cmpi ne, %rem3A_961, %ne3A_962 : i32
      %lt3A_964 = arith.constant 0 : i32
      %lt3A_965 = arith.cmpi slt, %rem3A_961, %lt3A_964 : i32
      %lt3A_966 = arith.constant 0 : i32
      %lt3A_967 = arith.cmpi slt, %select_n3A_960, %lt3A_966 : i32
      %ne3A_968 = arith.xori %lt3A_965, %lt3A_967 : i1
      %and3A_969 = arith.andi %ne3A_968, %ne3A_963 : i1
      %add3A_970 = arith.addi %rem3A_961, %select_n3A_960 : i32
      %select_n3A_971 = arith.select %and3A_969, %add3A_970, %rem3A_961 : i32
      %jit3A_972 = arith.constant 6 : i32
      %eq3A_973 = arith.constant 0 : i32
      %eq3A_974 = arith.cmpi eq, %jit3A_972, %eq3A_973 : i32
      %jit3A_975 = arith.constant 1 : i32
      %select_n3A_976 = arith.select %eq3A_974, %jit3A_975, %jit3A_972 : i32
      %rem3A_977 = arith.remsi %sub3A_931, %select_n3A_976 : i32
      %ne3A_978 = arith.constant 0 : i32
      %ne3A_979 = arith.cmpi ne, %rem3A_977, %ne3A_978 : i32
      %lt3A_980 = arith.constant 0 : i32
      %lt3A_981 = arith.cmpi slt, %rem3A_977, %lt3A_980 : i32
      %lt3A_982 = arith.constant 0 : i32
      %lt3A_983 = arith.cmpi slt, %select_n3A_976, %lt3A_982 : i32
      %ne3A_984 = arith.xori %lt3A_981, %lt3A_983 : i1
      %and3A_985 = arith.andi %ne3A_984, %ne3A_979 : i1
      %add3A_986 = arith.addi %rem3A_977, %select_n3A_976 : i32
      %select_n3A_987 = arith.select %and3A_985, %add3A_986, %rem3A_977 : i32
      %mul3A_988 = arith.constant 1000 : i32
      %mul3A_989 = arith.muli %select_n3A_955, %mul3A_988 : i32
      %multiple_of3A_990 = tpu.assume_multiple %mul3A_989, 8 : i32
      %jit3A_991 = arith.constant 2 : i32
      %eq3A_992 = arith.constant 0 : i32
      %eq3A_993 = arith.cmpi eq, %jit3A_991, %eq3A_992 : i32
      %jit3A_994 = arith.constant 1 : i32
      %select_n3A_995 = arith.select %eq3A_993, %jit3A_994, %jit3A_991 : i32
      %rem3A_996 = arith.remsi %select_n3A_955, %select_n3A_995 : i32
      %ne3A_997 = arith.constant 0 : i32
      %ne3A_998 = arith.cmpi ne, %rem3A_996, %ne3A_997 : i32
      %lt3A_999 = arith.constant 0 : i32
      %lt3A_1000 = arith.cmpi slt, %rem3A_996, %lt3A_999 : i32
      %lt3A_1001 = arith.constant 0 : i32
      %lt3A_1002 = arith.cmpi slt, %select_n3A_995, %lt3A_1001 : i32
      %ne3A_1003 = arith.xori %lt3A_1000, %lt3A_1002 : i1
      %and3A_1004 = arith.andi %ne3A_1003, %ne3A_998 : i1
      %add3A_1005 = arith.addi %rem3A_996, %select_n3A_995 : i32
      %select_n3A_1006 = arith.select %and3A_1004, %add3A_1005, %rem3A_996 : i32
      %mul3A_1007 = arith.constant 1024 : i32
      %mul3A_1008 = arith.muli %select_n3A_1006, %mul3A_1007 : i32
      %mul3A_1009 = arith.constant 32 : i32
      %mul3A_1010 = arith.muli %select_n3A_971, %mul3A_1009 : i32
      %add3A_1011 = arith.addi %mul3A_1008, %mul3A_1010 : i32
      %dma_wait3A_1012 = arith.constant 0 : i32
      %dma_wait3A_1013 = arith.constant 0 : i32
      %dma_wait3A_1014 = tpu.memref_slice %arg7[%select_n3A_987, %dma_wait3A_1012, %dma_wait3A_1013] : memref<6x32x128xf32, #tpu.memory_space<vmem>> -> memref<1x32x128xf32, #tpu.memory_space<vmem>>
      %dma_wait3A_1015 = tpu.memref_squeeze %dma_wait3A_1014 : memref<1x32x128xf32, #tpu.memory_space<vmem>> -> memref<32x128xf32, #tpu.memory_space<vmem>>
      %dma_wait3A_1016 = tpu.memref_slice %arg6[%add3A_1011] : memref<2048xi32, #tpu.memory_space<vmem>> -> memref<32xi32, #tpu.memory_space<vmem>>
      %dma_wait3A_1017 = arith.constant 0 : i32
      %dma_wait3A_1018 = tpu.memref_slice %arg5[%multiple_of3A_990, %dma_wait3A_1017] : memref<13000x128xf32, #tpu.memory_space<vmem_shared>> -> memref<1000x128xf32, #tpu.memory_space<vmem_shared>>
      %dma_wait3A_1019 = arith.constant 0 : i32
      %dma_wait3A_1020 = arith.constant 0 : i32
      %dma_wait3A_1021 = tpu.memref_slice %dma_wait3A_1018[%dma_wait3A_1019, %dma_wait3A_1020] : memref<1000x128xf32, #tpu.memory_space<vmem_shared>> -> memref<1000x128xf32, #tpu.memory_space<vmem_shared>>
      %dma_wait3A_1022 = tpu.memref_slice %arg9[%select_n3A_987] : memref<6x!tpu.dma_semaphore, #tpu.memory_space<semaphore_mem>> -> memref<1x!tpu.dma_semaphore, #tpu.memory_space<semaphore_mem>>
      %dma_wait3A_1023 = tpu.memref_squeeze %dma_wait3A_1022 : memref<1x!tpu.dma_semaphore, #tpu.memory_space<semaphore_mem>> -> memref<!tpu.dma_semaphore, #tpu.memory_space<semaphore_mem>>
      tpu.wait_indirect_dma semaphore(%dma_wait3A_1023 : memref<!tpu.dma_semaphore, #tpu.memory_space<semaphore_mem>>) src(%dma_wait3A_1021 : memref<1000x128xf32, #tpu.memory_space<vmem_shared>>) dst(%dma_wait3A_1015 : memref<32x128xf32, #tpu.memory_space<vmem>>)
      %sub3A_1024 = arith.constant 3 : i32
      %sub3A_1025 = arith.subi %add3A_889, %sub3A_1024 : i32
      %jit3A_1026 = arith.constant 32 : i32
      %div3A_1027 = arith.divsi %sub3A_1025, %jit3A_1026 : i32
      %sign3A_1028 = arith.constant 0 : i32
      %sign3A_1029 = arith.cmpi sgt, %sub3A_1025, %sign3A_1028 : i32
      %sign3A_1030 = arith.extui %sign3A_1029 : i1 to i32
      %sign3A_1031 = arith.constant 0 : i32
      %sign3A_1032 = arith.cmpi slt, %sub3A_1025, %sign3A_1031 : i32
      %sign3A_1033 = arith.extui %sign3A_1032 : i1 to i32
      %sign3A_1034 = arith.subi %sign3A_1030, %sign3A_1033 : i32
      %sign3A_1035 = arith.constant 0 : i32
      %sign3A_1036 = arith.cmpi sgt, %jit3A_1026, %sign3A_1035 : i32
      %sign3A_1037 = arith.extui %sign3A_1036 : i1 to i32
      %sign3A_1038 = arith.constant 0 : i32
      %sign3A_1039 = arith.cmpi slt, %jit3A_1026, %sign3A_1038 : i32
      %sign3A_1040 = arith.extui %sign3A_1039 : i1 to i32
      %sign3A_1041 = arith.subi %sign3A_1037, %sign3A_1040 : i32
      %ne3A_1042 = arith.cmpi ne, %sign3A_1034, %sign3A_1041 : i32
      %rem3A_1043 = arith.remsi %sub3A_1025, %jit3A_1026 : i32
      %ne3A_1044 = arith.constant 0 : i32
      %ne3A_1045 = arith.cmpi ne, %rem3A_1043, %ne3A_1044 : i32
      %and3A_1046 = arith.andi %ne3A_1042, %ne3A_1045 : i1
      %sub3A_1047 = arith.constant 1 : i32
      %sub3A_1048 = arith.subi %div3A_1027, %sub3A_1047 : i32
      %select_n3A_1049 = arith.select %and3A_1046, %sub3A_1048, %div3A_1027 : i32
      %jit3A_1050 = arith.constant 32 : i32
      %eq3A_1051 = arith.constant 0 : i32
      %eq3A_1052 = arith.cmpi eq, %jit3A_1050, %eq3A_1051 : i32
      %jit3A_1053 = arith.constant 1 : i32
      %select_n3A_1054 = arith.select %eq3A_1052, %jit3A_1053, %jit3A_1050 : i32
      %rem3A_1055 = arith.remsi %sub3A_1025, %select_n3A_1054 : i32
      %ne3A_1056 = arith.constant 0 : i32
      %ne3A_1057 = arith.cmpi ne, %rem3A_1055, %ne3A_1056 : i32
      %lt3A_1058 = arith.constant 0 : i32
      %lt3A_1059 = arith.cmpi slt, %rem3A_1055, %lt3A_1058 : i32
      %lt3A_1060 = arith.constant 0 : i32
      %lt3A_1061 = arith.cmpi slt, %select_n3A_1054, %lt3A_1060 : i32
      %ne3A_1062 = arith.xori %lt3A_1059, %lt3A_1061 : i1
      %and3A_1063 = arith.andi %ne3A_1062, %ne3A_1057 : i1
      %add3A_1064 = arith.addi %rem3A_1055, %select_n3A_1054 : i32
      %select_n3A_1065 = arith.select %and3A_1063, %add3A_1064, %rem3A_1055 : i32
      %jit3A_1066 = arith.constant 6 : i32
      %eq3A_1067 = arith.constant 0 : i32
      %eq3A_1068 = arith.cmpi eq, %jit3A_1066, %eq3A_1067 : i32
      %jit3A_1069 = arith.constant 1 : i32
      %select_n3A_1070 = arith.select %eq3A_1068, %jit3A_1069, %jit3A_1066 : i32
      %rem3A_1071 = arith.remsi %sub3A_1025, %select_n3A_1070 : i32
      %ne3A_1072 = arith.constant 0 : i32
      %ne3A_1073 = arith.cmpi ne, %rem3A_1071, %ne3A_1072 : i32
      %lt3A_1074 = arith.constant 0 : i32
      %lt3A_1075 = arith.cmpi slt, %rem3A_1071, %lt3A_1074 : i32
      %lt3A_1076 = arith.constant 0 : i32
      %lt3A_1077 = arith.cmpi slt, %select_n3A_1070, %lt3A_1076 : i32
      %ne3A_1078 = arith.xori %lt3A_1075, %lt3A_1077 : i1
      %and3A_1079 = arith.andi %ne3A_1078, %ne3A_1073 : i1
      %add3A_1080 = arith.addi %rem3A_1071, %select_n3A_1070 : i32
      %select_n3A_1081 = arith.select %and3A_1079, %add3A_1080, %rem3A_1071 : i32
      %mul3A_1082 = arith.constant 32 : i32
      %mul3A_1083 = arith.muli %select_n3A_1065, %mul3A_1082 : i32
      %add3A_1084 = arith.addi %mul3A_0, %mul3A_1083 : i32
      %add3A_1085 = arith.addi %mul3A_2, %select_n3A_1049 : i32
      %mul3A_1086 = arith.constant 128 : i32
      %mul3A_1087 = arith.muli %add3A_1085, %mul3A_1086 : i32
      %dma_start3A_1088 = arith.constant 0 : i32
      %dma_start3A_1089 = arith.constant 0 : i32
      %dma_start3A_1090 = tpu.memref_slice %arg7[%select_n3A_1081, %dma_start3A_1088, %dma_start3A_1089] : memref<6x32x128xf32, #tpu.memory_space<vmem>> -> memref<1x32x128xf32, #tpu.memory_space<vmem>>
      %dma_start3A_1091 = tpu.memref_squeeze %dma_start3A_1090 : memref<1x32x128xf32, #tpu.memory_space<vmem>> -> memref<32x128xf32, #tpu.memory_space<vmem>>
      %dma_start3A_1092 = tpu.memref_slice %arg4[%add3A_1084, %mul3A_1087] : memref<16384x3328xf32, #tpu.memory_space<hbm>> -> memref<32x128xf32, #tpu.memory_space<hbm>>
      %dma_start3A_1093 = tpu.memref_slice %arg10[%select_n3A_1081] : memref<6x!tpu.dma_semaphore, #tpu.memory_space<semaphore_mem>> -> memref<1x!tpu.dma_semaphore, #tpu.memory_space<semaphore_mem>>
      %dma_start3A_1094 = tpu.memref_squeeze %dma_start3A_1093 : memref<1x!tpu.dma_semaphore, #tpu.memory_space<semaphore_mem>> -> memref<!tpu.dma_semaphore, #tpu.memory_space<semaphore_mem>>
      %dma_start3A_1095 = tpu.memref_slice %arg4[%add3A_1084, %mul3A_1087] : memref<16384x3328xf32, #tpu.memory_space<hbm>> -> memref<32x128xf32, #tpu.memory_space<hbm>>
      %dma_start3A_1096 = arith.constant 0 : i32
      %dma_start3A_1097 = arith.constant 0 : i32
      %dma_start3A_1098 = tpu.memref_slice %arg7[%select_n3A_1081, %dma_start3A_1096, %dma_start3A_1097] : memref<6x32x128xf32, #tpu.memory_space<vmem>> -> memref<1x32x128xf32, #tpu.memory_space<vmem>>
      %dma_start3A_1099 = tpu.memref_squeeze %dma_start3A_1098 : memref<1x32x128xf32, #tpu.memory_space<vmem>> -> memref<32x128xf32, #tpu.memory_space<vmem>>
      tpu.enqueue_dma source(%dma_start3A_1099 : memref<32x128xf32, #tpu.memory_space<vmem>>) target(%dma_start3A_1095 : memref<32x128xf32, #tpu.memory_space<hbm>>) target_semaphore(%dma_start3A_1094 : memref<!tpu.dma_semaphore, #tpu.memory_space<semaphore_mem>>)
      %eq3A_1100 = arith.constant 2 : i32
      %eq3A_1101 = arith.cmpi eq, %select_n3A_929, %eq3A_1100 : i32
      %ge3A_1102 = arith.constant 1 : i32
      %ge3A_1103 = arith.cmpi sge, %select_n3A_913, %ge3A_1102 : i32
      %and3A_1104 = arith.andi %eq3A_1101, %ge3A_1103 : i1
      %lt3A_1105 = arith.constant 12 : i32
      %lt3A_1106 = arith.cmpi slt, %select_n3A_913, %lt3A_1105 : i32
      %and3A_1107 = arith.andi %and3A_1104, %lt3A_1106 : i1
      %convert_element_type3A_1108 = arith.extui %and3A_1107 : i1 to i32
      %cond3A_1109 = arith.constant 0 : i32
      %cond3A_1110 = arith.cmpi ne, %convert_element_type3A_1108, %cond3A_1109 : i32
      scf.if %cond3A_1110 {
        %add3A_1288 = arith.constant 1 : i32
        %add3A_1289 = arith.addi %select_n3A_913, %add3A_1288 : i32
        %jit3A_1290 = arith.constant 2 : i32
        %eq3A_1291 = arith.constant 0 : i32
        %eq3A_1292 = arith.cmpi eq, %jit3A_1290, %eq3A_1291 : i32
        %jit3A_1293 = arith.constant 1 : i32
        %select_n3A_1294 = arith.select %eq3A_1292, %jit3A_1293, %jit3A_1290 : i32
        %rem3A_1295 = arith.remsi %add3A_1289, %select_n3A_1294 : i32
        %ne3A_1296 = arith.constant 0 : i32
        %ne3A_1297 = arith.cmpi ne, %rem3A_1295, %ne3A_1296 : i32
        %lt3A_1298 = arith.constant 0 : i32
        %lt3A_1299 = arith.cmpi slt, %rem3A_1295, %lt3A_1298 : i32
        %lt3A_1300 = arith.constant 0 : i32
        %lt3A_1301 = arith.cmpi slt, %select_n3A_1294, %lt3A_1300 : i32
        %ne3A_1302 = arith.xori %lt3A_1299, %lt3A_1301 : i1
        %and3A_1303 = arith.andi %ne3A_1302, %ne3A_1297 : i1
        %add3A_1304 = arith.addi %rem3A_1295, %select_n3A_1294 : i32
        %select_n3A_1305 = arith.select %and3A_1303, %add3A_1304, %rem3A_1295 : i32
        %add3A_1306 = arith.addi %mul3A_2, %add3A_1289 : i32
        %mul3A_1307 = arith.constant 16384 : i32
        %mul3A_1308 = arith.muli %add3A_1306, %mul3A_1307 : i32
        %add3A_1309 = arith.addi %mul3A_1308, %mul3A_0 : i32
        %mul3A_1310 = arith.constant 1024 : i32
        %mul3A_1311 = arith.muli %select_n3A_1305, %mul3A_1310 : i32
        %multiple_of3A_1312 = tpu.assume_multiple %mul3A_1311, 8 : i32
        %dma_start3A_1313 = tpu.memref_slice %arg6[%multiple_of3A_1312] : memref<2048xi32, #tpu.memory_space<vmem>> -> memref<1024xi32, #tpu.memory_space<vmem>>
        %dma_start3A_1314 = tpu.memref_slice %arg2[%add3A_1309] : memref<425984xi32, #tpu.memory_space<hbm>> -> memref<1024xi32, #tpu.memory_space<hbm>>
        %dma_start3A_1315 = tpu.memref_slice %arg8[%select_n3A_1305] : memref<2x!tpu.dma_semaphore, #tpu.memory_space<semaphore_mem>> -> memref<1x!tpu.dma_semaphore, #tpu.memory_space<semaphore_mem>>
        %dma_start3A_1316 = tpu.memref_squeeze %dma_start3A_1315 : memref<1x!tpu.dma_semaphore, #tpu.memory_space<semaphore_mem>> -> memref<!tpu.dma_semaphore, #tpu.memory_space<semaphore_mem>>
        %dma_start3A_1317 = tpu.memref_slice %arg6[%multiple_of3A_1312] : memref<2048xi32, #tpu.memory_space<vmem>> -> memref<1024xi32, #tpu.memory_space<vmem>>
        %dma_start3A_1318 = tpu.memref_slice %arg2[%add3A_1309] : memref<425984xi32, #tpu.memory_space<hbm>> -> memref<1024xi32, #tpu.memory_space<hbm>>
        tpu.enqueue_dma source(%dma_start3A_1318 : memref<1024xi32, #tpu.memory_space<hbm>>) target(%dma_start3A_1317 : memref<1024xi32, #tpu.memory_space<vmem>>) target_semaphore(%dma_start3A_1316 : memref<!tpu.dma_semaphore, #tpu.memory_space<semaphore_mem>>)
      } else {
      }
      %eq3A_1111 = arith.constant 0 : i32
      %eq3A_1112 = arith.cmpi eq, %select_n3A_929, %eq3A_1111 : i32
      %ge3A_1113 = arith.constant 1 : i32
      %ge3A_1114 = arith.cmpi sge, %select_n3A_913, %ge3A_1113 : i32
      %and3A_1115 = arith.andi %eq3A_1112, %ge3A_1114 : i1
      %convert_element_type3A_1116 = arith.extui %and3A_1115 : i1 to i32
      %cond3A_1117 = arith.constant 0 : i32
      %cond3A_1118 = arith.cmpi ne, %convert_element_type3A_1116, %cond3A_1117 : i32
      scf.if %cond3A_1118 {
        %jit3A_1288 = arith.constant 2 : i32
        %eq3A_1289 = arith.constant 0 : i32
        %eq3A_1290 = arith.cmpi eq, %jit3A_1288, %eq3A_1289 : i32
        %jit3A_1291 = arith.constant 1 : i32
        %select_n3A_1292 = arith.select %eq3A_1290, %jit3A_1291, %jit3A_1288 : i32
        %rem3A_1293 = arith.remsi %select_n3A_913, %select_n3A_1292 : i32
        %ne3A_1294 = arith.constant 0 : i32
        %ne3A_1295 = arith.cmpi ne, %rem3A_1293, %ne3A_1294 : i32
        %lt3A_1296 = arith.constant 0 : i32
        %lt3A_1297 = arith.cmpi slt, %rem3A_1293, %lt3A_1296 : i32
        %lt3A_1298 = arith.constant 0 : i32
        %lt3A_1299 = arith.cmpi slt, %select_n3A_1292, %lt3A_1298 : i32
        %ne3A_1300 = arith.xori %lt3A_1297, %lt3A_1299 : i1
        %and3A_1301 = arith.andi %ne3A_1300, %ne3A_1295 : i1
        %add3A_1302 = arith.addi %rem3A_1293, %select_n3A_1292 : i32
        %select_n3A_1303 = arith.select %and3A_1301, %add3A_1302, %rem3A_1293 : i32
        %add3A_1304 = arith.addi %mul3A_2, %select_n3A_913 : i32
        %mul3A_1305 = arith.constant 16384 : i32
        %mul3A_1306 = arith.muli %add3A_1304, %mul3A_1305 : i32
        %add3A_1307 = arith.addi %mul3A_1306, %mul3A_0 : i32
        %mul3A_1308 = arith.constant 1024 : i32
        %mul3A_1309 = arith.muli %select_n3A_1303, %mul3A_1308 : i32
        %multiple_of3A_1310 = tpu.assume_multiple %mul3A_1309, 8 : i32
        %dma_wait3A_1311 = tpu.memref_slice %arg6[%multiple_of3A_1310] : memref<2048xi32, #tpu.memory_space<vmem>> -> memref<1024xi32, #tpu.memory_space<vmem>>
        %dma_wait3A_1312 = tpu.memref_slice %arg2[%add3A_1307] : memref<425984xi32, #tpu.memory_space<hbm>> -> memref<1024xi32, #tpu.memory_space<hbm>>
        %dma_wait3A_1313 = tpu.memref_slice %arg8[%select_n3A_1303] : memref<2x!tpu.dma_semaphore, #tpu.memory_space<semaphore_mem>> -> memref<1x!tpu.dma_semaphore, #tpu.memory_space<semaphore_mem>>
        %dma_wait3A_1314 = tpu.memref_squeeze %dma_wait3A_1313 : memref<1x!tpu.dma_semaphore, #tpu.memory_space<semaphore_mem>> -> memref<!tpu.dma_semaphore, #tpu.memory_space<semaphore_mem>>
        %dma_wait3A_1315 = tpu.memref_slice %arg6[%multiple_of3A_1310] : memref<2048xi32, #tpu.memory_space<vmem>> -> memref<1024xi32, #tpu.memory_space<vmem>>
        %dma_wait3A_1316 = tpu.memref_slice %arg2[%add3A_1307] : memref<425984xi32, #tpu.memory_space<hbm>> -> memref<1024xi32, #tpu.memory_space<hbm>>
        tpu.wait_dma2 semaphore(%dma_wait3A_1314 : memref<!tpu.dma_semaphore, #tpu.memory_space<semaphore_mem>>) src(%dma_wait3A_1316 : memref<1024xi32, #tpu.memory_space<hbm>>) dst(%dma_wait3A_1315 : memref<1024xi32, #tpu.memory_space<vmem>>)
      } else {
      }
      %sub3A_1119 = arith.constant 6 : i32
      %sub3A_1120 = arith.subi %add3A_889, %sub3A_1119 : i32
      %jit3A_1121 = arith.constant 32 : i32
      %div3A_1122 = arith.divsi %sub3A_1120, %jit3A_1121 : i32
      %sign3A_1123 = arith.constant 0 : i32
      %sign3A_1124 = arith.cmpi sgt, %sub3A_1120, %sign3A_1123 : i32
      %sign3A_1125 = arith.extui %sign3A_1124 : i1 to i32
      %sign3A_1126 = arith.constant 0 : i32
      %sign3A_1127 = arith.cmpi slt, %sub3A_1120, %sign3A_1126 : i32
      %sign3A_1128 = arith.extui %sign3A_1127 : i1 to i32
      %sign3A_1129 = arith.subi %sign3A_1125, %sign3A_1128 : i32
      %sign3A_1130 = arith.constant 0 : i32
      %sign3A_1131 = arith.cmpi sgt, %jit3A_1121, %sign3A_1130 : i32
      %sign3A_1132 = arith.extui %sign3A_1131 : i1 to i32
      %sign3A_1133 = arith.constant 0 : i32
      %sign3A_1134 = arith.cmpi slt, %jit3A_1121, %sign3A_1133 : i32
      %sign3A_1135 = arith.extui %sign3A_1134 : i1 to i32
      %sign3A_1136 = arith.subi %sign3A_1132, %sign3A_1135 : i32
      %ne3A_1137 = arith.cmpi ne, %sign3A_1129, %sign3A_1136 : i32
      %rem3A_1138 = arith.remsi %sub3A_1120, %jit3A_1121 : i32
      %ne3A_1139 = arith.constant 0 : i32
      %ne3A_1140 = arith.cmpi ne, %rem3A_1138, %ne3A_1139 : i32
      %and3A_1141 = arith.andi %ne3A_1137, %ne3A_1140 : i1
      %sub3A_1142 = arith.constant 1 : i32
      %sub3A_1143 = arith.subi %div3A_1122, %sub3A_1142 : i32
      %select_n3A_1144 = arith.select %and3A_1141, %sub3A_1143, %div3A_1122 : i32
      %jit3A_1145 = arith.constant 32 : i32
      %eq3A_1146 = arith.constant 0 : i32
      %eq3A_1147 = arith.cmpi eq, %jit3A_1145, %eq3A_1146 : i32
      %jit3A_1148 = arith.constant 1 : i32
      %select_n3A_1149 = arith.select %eq3A_1147, %jit3A_1148, %jit3A_1145 : i32
      %rem3A_1150 = arith.remsi %sub3A_1120, %select_n3A_1149 : i32
      %ne3A_1151 = arith.constant 0 : i32
      %ne3A_1152 = arith.cmpi ne, %rem3A_1150, %ne3A_1151 : i32
      %lt3A_1153 = arith.constant 0 : i32
      %lt3A_1154 = arith.cmpi slt, %rem3A_1150, %lt3A_1153 : i32
      %lt3A_1155 = arith.constant 0 : i32
      %lt3A_1156 = arith.cmpi slt, %select_n3A_1149, %lt3A_1155 : i32
      %ne3A_1157 = arith.xori %lt3A_1154, %lt3A_1156 : i1
      %and3A_1158 = arith.andi %ne3A_1157, %ne3A_1152 : i1
      %add3A_1159 = arith.addi %rem3A_1150, %select_n3A_1149 : i32
      %select_n3A_1160 = arith.select %and3A_1158, %add3A_1159, %rem3A_1150 : i32
      %jit3A_1161 = arith.constant 6 : i32
      %eq3A_1162 = arith.constant 0 : i32
      %eq3A_1163 = arith.cmpi eq, %jit3A_1161, %eq3A_1162 : i32
      %jit3A_1164 = arith.constant 1 : i32
      %select_n3A_1165 = arith.select %eq3A_1163, %jit3A_1164, %jit3A_1161 : i32
      %rem3A_1166 = arith.remsi %sub3A_1120, %select_n3A_1165 : i32
      %ne3A_1167 = arith.constant 0 : i32
      %ne3A_1168 = arith.cmpi ne, %rem3A_1166, %ne3A_1167 : i32
      %lt3A_1169 = arith.constant 0 : i32
      %lt3A_1170 = arith.cmpi slt, %rem3A_1166, %lt3A_1169 : i32
      %lt3A_1171 = arith.constant 0 : i32
      %lt3A_1172 = arith.cmpi slt, %select_n3A_1165, %lt3A_1171 : i32
      %ne3A_1173 = arith.xori %lt3A_1170, %lt3A_1172 : i1
      %and3A_1174 = arith.andi %ne3A_1173, %ne3A_1168 : i1
      %add3A_1175 = arith.addi %rem3A_1166, %select_n3A_1165 : i32
      %select_n3A_1176 = arith.select %and3A_1174, %add3A_1175, %rem3A_1166 : i32
      %mul3A_1177 = arith.constant 32 : i32
      %mul3A_1178 = arith.muli %select_n3A_1160, %mul3A_1177 : i32
      %add3A_1179 = arith.addi %mul3A_0, %mul3A_1178 : i32
      %add3A_1180 = arith.addi %mul3A_2, %select_n3A_1144 : i32
      %mul3A_1181 = arith.constant 128 : i32
      %mul3A_1182 = arith.muli %add3A_1180, %mul3A_1181 : i32
      %dma_wait3A_1183 = arith.constant 0 : i32
      %dma_wait3A_1184 = arith.constant 0 : i32
      %dma_wait3A_1185 = tpu.memref_slice %arg7[%select_n3A_1176, %dma_wait3A_1183, %dma_wait3A_1184] : memref<6x32x128xf32, #tpu.memory_space<vmem>> -> memref<1x32x128xf32, #tpu.memory_space<vmem>>
      %dma_wait3A_1186 = tpu.memref_squeeze %dma_wait3A_1185 : memref<1x32x128xf32, #tpu.memory_space<vmem>> -> memref<32x128xf32, #tpu.memory_space<vmem>>
      %dma_wait3A_1187 = tpu.memref_slice %arg4[%add3A_1179, %mul3A_1182] : memref<16384x3328xf32, #tpu.memory_space<hbm>> -> memref<32x128xf32, #tpu.memory_space<hbm>>
      %dma_wait3A_1188 = tpu.memref_slice %arg10[%select_n3A_1176] : memref<6x!tpu.dma_semaphore, #tpu.memory_space<semaphore_mem>> -> memref<1x!tpu.dma_semaphore, #tpu.memory_space<semaphore_mem>>
      %dma_wait3A_1189 = tpu.memref_squeeze %dma_wait3A_1188 : memref<1x!tpu.dma_semaphore, #tpu.memory_space<semaphore_mem>> -> memref<!tpu.dma_semaphore, #tpu.memory_space<semaphore_mem>>
      %dma_wait3A_1190 = tpu.memref_slice %arg4[%add3A_1179, %mul3A_1182] : memref<16384x3328xf32, #tpu.memory_space<hbm>> -> memref<32x128xf32, #tpu.memory_space<hbm>>
      %dma_wait3A_1191 = arith.constant 0 : i32
      %dma_wait3A_1192 = arith.constant 0 : i32
      %dma_wait3A_1193 = tpu.memref_slice %arg7[%select_n3A_1176, %dma_wait3A_1191, %dma_wait3A_1192] : memref<6x32x128xf32, #tpu.memory_space<vmem>> -> memref<1x32x128xf32, #tpu.memory_space<vmem>>
      %dma_wait3A_1194 = tpu.memref_squeeze %dma_wait3A_1193 : memref<1x32x128xf32, #tpu.memory_space<vmem>> -> memref<32x128xf32, #tpu.memory_space<vmem>>
      tpu.wait_dma2 semaphore(%dma_wait3A_1189 : memref<!tpu.dma_semaphore, #tpu.memory_space<semaphore_mem>>) src(%dma_wait3A_1194 : memref<32x128xf32, #tpu.memory_space<vmem>>) dst(%dma_wait3A_1190 : memref<32x128xf32, #tpu.memory_space<hbm>>)
      %jit3A_1195 = arith.constant 32 : i32
      %div3A_1196 = arith.divsi %add3A_889, %jit3A_1195 : i32
      %sign3A_1197 = arith.constant 0 : i32
      %sign3A_1198 = arith.cmpi sgt, %add3A_889, %sign3A_1197 : i32
      %sign3A_1199 = arith.extui %sign3A_1198 : i1 to i32
      %sign3A_1200 = arith.constant 0 : i32
      %sign3A_1201 = arith.cmpi slt, %add3A_889, %sign3A_1200 : i32
      %sign3A_1202 = arith.extui %sign3A_1201 : i1 to i32
      %sign3A_1203 = arith.subi %sign3A_1199, %sign3A_1202 : i32
      %sign3A_1204 = arith.constant 0 : i32
      %sign3A_1205 = arith.cmpi sgt, %jit3A_1195, %sign3A_1204 : i32
      %sign3A_1206 = arith.extui %sign3A_1205 : i1 to i32
      %sign3A_1207 = arith.constant 0 : i32
      %sign3A_1208 = arith.cmpi slt, %jit3A_1195, %sign3A_1207 : i32
      %sign3A_1209 = arith.extui %sign3A_1208 : i1 to i32
      %sign3A_1210 = arith.subi %sign3A_1206, %sign3A_1209 : i32
      %ne3A_1211 = arith.cmpi ne, %sign3A_1203, %sign3A_1210 : i32
      %rem3A_1212 = arith.remsi %add3A_889, %jit3A_1195 : i32
      %ne3A_1213 = arith.constant 0 : i32
      %ne3A_1214 = arith.cmpi ne, %rem3A_1212, %ne3A_1213 : i32
      %and3A_1215 = arith.andi %ne3A_1211, %ne3A_1214 : i1
      %sub3A_1216 = arith.constant 1 : i32
      %sub3A_1217 = arith.subi %div3A_1196, %sub3A_1216 : i32
      %select_n3A_1218 = arith.select %and3A_1215, %sub3A_1217, %div3A_1196 : i32
      %jit3A_1219 = arith.constant 32 : i32
      %eq3A_1220 = arith.constant 0 : i32
      %eq3A_1221 = arith.cmpi eq, %jit3A_1219, %eq3A_1220 : i32
      %jit3A_1222 = arith.constant 1 : i32
      %select_n3A_1223 = arith.select %eq3A_1221, %jit3A_1222, %jit3A_1219 : i32
      %rem3A_1224 = arith.remsi %add3A_889, %select_n3A_1223 : i32
      %ne3A_1225 = arith.constant 0 : i32
      %ne3A_1226 = arith.cmpi ne, %rem3A_1224, %ne3A_1225 : i32
      %lt3A_1227 = arith.constant 0 : i32
      %lt3A_1228 = arith.cmpi slt, %rem3A_1224, %lt3A_1227 : i32
      %lt3A_1229 = arith.constant 0 : i32
      %lt3A_1230 = arith.cmpi slt, %select_n3A_1223, %lt3A_1229 : i32
      %ne3A_1231 = arith.xori %lt3A_1228, %lt3A_1230 : i1
      %and3A_1232 = arith.andi %ne3A_1231, %ne3A_1226 : i1
      %add3A_1233 = arith.addi %rem3A_1224, %select_n3A_1223 : i32
      %select_n3A_1234 = arith.select %and3A_1232, %add3A_1233, %rem3A_1224 : i32
      %jit3A_1235 = arith.constant 6 : i32
      %eq3A_1236 = arith.constant 0 : i32
      %eq3A_1237 = arith.cmpi eq, %jit3A_1235, %eq3A_1236 : i32
      %jit3A_1238 = arith.constant 1 : i32
      %select_n3A_1239 = arith.select %eq3A_1237, %jit3A_1238, %jit3A_1235 : i32
      %rem3A_1240 = arith.remsi %add3A_889, %select_n3A_1239 : i32
      %ne3A_1241 = arith.constant 0 : i32
      %ne3A_1242 = arith.cmpi ne, %rem3A_1240, %ne3A_1241 : i32
      %lt3A_1243 = arith.constant 0 : i32
      %lt3A_1244 = arith.cmpi slt, %rem3A_1240, %lt3A_1243 : i32
      %lt3A_1245 = arith.constant 0 : i32
      %lt3A_1246 = arith.cmpi slt, %select_n3A_1239, %lt3A_1245 : i32
      %ne3A_1247 = arith.xori %lt3A_1244, %lt3A_1246 : i1
      %and3A_1248 = arith.andi %ne3A_1247, %ne3A_1242 : i1
      %add3A_1249 = arith.addi %rem3A_1240, %select_n3A_1239 : i32
      %select_n3A_1250 = arith.select %and3A_1248, %add3A_1249, %rem3A_1240 : i32
      %mul3A_1251 = arith.constant 1000 : i32
      %mul3A_1252 = arith.muli %select_n3A_1218, %mul3A_1251 : i32
      %multiple_of3A_1253 = tpu.assume_multiple %mul3A_1252, 8 : i32
      %jit3A_1254 = arith.constant 2 : i32
      %eq3A_1255 = arith.constant 0 : i32
      %eq3A_1256 = arith.cmpi eq, %jit3A_1254, %eq3A_1255 : i32
      %jit3A_1257 = arith.constant 1 : i32
      %select_n3A_1258 = arith.select %eq3A_1256, %jit3A_1257, %jit3A_1254 : i32
      %rem3A_1259 = arith.remsi %select_n3A_1218, %select_n3A_1258 : i32
      %ne3A_1260 = arith.constant 0 : i32
      %ne3A_1261 = arith.cmpi ne, %rem3A_1259, %ne3A_1260 : i32
      %lt3A_1262 = arith.constant 0 : i32
      %lt3A_1263 = arith.cmpi slt, %rem3A_1259, %lt3A_1262 : i32
      %lt3A_1264 = arith.constant 0 : i32
      %lt3A_1265 = arith.cmpi slt, %select_n3A_1258, %lt3A_1264 : i32
      %ne3A_1266 = arith.xori %lt3A_1263, %lt3A_1265 : i1
      %and3A_1267 = arith.andi %ne3A_1266, %ne3A_1261 : i1
      %add3A_1268 = arith.addi %rem3A_1259, %select_n3A_1258 : i32
      %select_n3A_1269 = arith.select %and3A_1267, %add3A_1268, %rem3A_1259 : i32
      %mul3A_1270 = arith.constant 1024 : i32
      %mul3A_1271 = arith.muli %select_n3A_1269, %mul3A_1270 : i32
      %mul3A_1272 = arith.constant 32 : i32
      %mul3A_1273 = arith.muli %select_n3A_1234, %mul3A_1272 : i32
      %add3A_1274 = arith.addi %mul3A_1271, %mul3A_1273 : i32
      %dma_start3A_1275 = arith.constant 0 : i32
      %dma_start3A_1276 = arith.constant 0 : i32
      %dma_start3A_1277 = tpu.memref_slice %arg7[%select_n3A_1250, %dma_start3A_1275, %dma_start3A_1276] : memref<6x32x128xf32, #tpu.memory_space<vmem>> -> memref<1x32x128xf32, #tpu.memory_space<vmem>>
      %dma_start3A_1278 = tpu.memref_squeeze %dma_start3A_1277 : memref<1x32x128xf32, #tpu.memory_space<vmem>> -> memref<32x128xf32, #tpu.memory_space<vmem>>
      %dma_start3A_1279 = tpu.memref_slice %arg6[%add3A_1274] : memref<2048xi32, #tpu.memory_space<vmem>> -> memref<32xi32, #tpu.memory_space<vmem>>
      %dma_start3A_1280 = arith.constant 0 : i32
      %dma_start3A_1281 = tpu.memref_slice %arg5[%multiple_of3A_1253, %dma_start3A_1280] : memref<13000x128xf32, #tpu.memory_space<vmem_shared>> -> memref<1000x128xf32, #tpu.memory_space<vmem_shared>>
      %dma_start3A_1282 = arith.constant 0 : i32
      %dma_start3A_1283 = arith.constant 0 : i32
      %dma_start3A_1284 = tpu.memref_slice %dma_start3A_1281[%dma_start3A_1282, %dma_start3A_1283] : memref<1000x128xf32, #tpu.memory_space<vmem_shared>> -> memref<1000x128xf32, #tpu.memory_space<vmem_shared>>
      %dma_start3A_1285 = tpu.memref_slice %arg9[%select_n3A_1250] : memref<6x!tpu.dma_semaphore, #tpu.memory_space<semaphore_mem>> -> memref<1x!tpu.dma_semaphore, #tpu.memory_space<semaphore_mem>>
      %dma_start3A_1286 = tpu.memref_squeeze %dma_start3A_1285 : memref<1x!tpu.dma_semaphore, #tpu.memory_space<semaphore_mem>> -> memref<!tpu.dma_semaphore, #tpu.memory_space<semaphore_mem>>
      tpu.enqueue_indirect_dma source(%dma_start3A_1284 : memref<1000x128xf32, #tpu.memory_space<vmem_shared>>) target(%dma_start3A_1278 : memref<32x128xf32, #tpu.memory_space<vmem>>) offsets(%dma_start3A_1279 : memref<32xi32, #tpu.memory_space<vmem>>) semaphore(%dma_start3A_1286 : memref<!tpu.dma_semaphore, #tpu.memory_space<semaphore_mem>>)
      %scan3A_1287 = arith.constant 0 : i32
      scf.yield %scan3A_1287 : i32
    }
    %scan3A_261 = arith.constant 205 : i32
    %multiple_of3A_262 = arith.constant 12000 : i32
    %multiple_of3A_263 = tpu.assume_multiple %multiple_of3A_262, 8 : i32
    %dma_wait3A_264 = arith.constant 5 : i32
    %dma_wait3A_265 = arith.constant 5 : i32
    %dma_wait3A_266 = arith.constant 0 : i32
    %dma_wait3A_267 = arith.constant 0 : i32
    %dma_wait3A_268 = tpu.memref_slice %arg7[%dma_wait3A_264, %dma_wait3A_266, %dma_wait3A_267] : memref<6x32x128xf32, #tpu.memory_space<vmem>> -> memref<1x32x128xf32, #tpu.memory_space<vmem>>
    %dma_wait3A_269 = tpu.memref_squeeze %dma_wait3A_268 : memref<1x32x128xf32, #tpu.memory_space<vmem>> -> memref<32x128xf32, #tpu.memory_space<vmem>>
    %dma_wait3A_270 = arith.constant 928 : i32
    %dma_wait3A_271 = tpu.memref_slice %arg6[%dma_wait3A_270] : memref<2048xi32, #tpu.memory_space<vmem>> -> memref<32xi32, #tpu.memory_space<vmem>>
    %dma_wait3A_272 = arith.constant 0 : i32
    %dma_wait3A_273 = tpu.memref_slice %arg5[%multiple_of3A_263, %dma_wait3A_272] : memref<13000x128xf32, #tpu.memory_space<vmem_shared>> -> memref<1000x128xf32, #tpu.memory_space<vmem_shared>>
    %dma_wait3A_274 = arith.constant 0 : i32
    %dma_wait3A_275 = arith.constant 0 : i32
    %dma_wait3A_276 = tpu.memref_slice %dma_wait3A_273[%dma_wait3A_274, %dma_wait3A_275] : memref<1000x128xf32, #tpu.memory_space<vmem_shared>> -> memref<1000x128xf32, #tpu.memory_space<vmem_shared>>
    %dma_wait3A_277 = tpu.memref_slice %arg9[%dma_wait3A_265] : memref<6x!tpu.dma_semaphore, #tpu.memory_space<semaphore_mem>> -> memref<1x!tpu.dma_semaphore, #tpu.memory_space<semaphore_mem>>
    %dma_wait3A_278 = tpu.memref_squeeze %dma_wait3A_277 : memref<1x!tpu.dma_semaphore, #tpu.memory_space<semaphore_mem>> -> memref<!tpu.dma_semaphore, #tpu.memory_space<semaphore_mem>>
    tpu.wait_indirect_dma semaphore(%dma_wait3A_278 : memref<!tpu.dma_semaphore, #tpu.memory_space<semaphore_mem>>) src(%dma_wait3A_276 : memref<1000x128xf32, #tpu.memory_space<vmem_shared>>) dst(%dma_wait3A_269 : memref<32x128xf32, #tpu.memory_space<vmem>>)
    %add3A_279 = arith.constant 928 : i32
    %add3A_280 = arith.addi %mul3A_0, %add3A_279 : i32
    %add3A_281 = arith.constant 12 : i32
    %add3A_282 = arith.addi %mul3A_2, %add3A_281 : i32
    %mul3A_283 = arith.constant 128 : i32
    %mul3A_284 = arith.muli %add3A_282, %mul3A_283 : i32
    %dma_start3A_285 = arith.constant 5 : i32
    %dma_start3A_286 = arith.constant 5 : i32
    %dma_start3A_287 = arith.constant 0 : i32
    %dma_start3A_288 = arith.constant 0 : i32
    %dma_start3A_289 = tpu.memref_slice %arg7[%dma_start3A_285, %dma_start3A_287, %dma_start3A_288] : memref<6x32x128xf32, #tpu.memory_space<vmem>> -> memref<1x32x128xf32, #tpu.memory_space<vmem>>
    %dma_start3A_290 = tpu.memref_squeeze %dma_start3A_289 : memref<1x32x128xf32, #tpu.memory_space<vmem>> -> memref<32x128xf32, #tpu.memory_space<vmem>>
    %dma_start3A_291 = tpu.memref_slice %arg4[%add3A_280, %mul3A_284] : memref<16384x3328xf32, #tpu.memory_space<hbm>> -> memref<32x128xf32, #tpu.memory_space<hbm>>
    %dma_start3A_292 = tpu.memref_slice %arg10[%dma_start3A_286] : memref<6x!tpu.dma_semaphore, #tpu.memory_space<semaphore_mem>> -> memref<1x!tpu.dma_semaphore, #tpu.memory_space<semaphore_mem>>
    %dma_start3A_293 = tpu.memref_squeeze %dma_start3A_292 : memref<1x!tpu.dma_semaphore, #tpu.memory_space<semaphore_mem>> -> memref<!tpu.dma_semaphore, #tpu.memory_space<semaphore_mem>>
    %dma_start3A_294 = tpu.memref_slice %arg4[%add3A_280, %mul3A_284] : memref<16384x3328xf32, #tpu.memory_space<hbm>> -> memref<32x128xf32, #tpu.memory_space<hbm>>
    %dma_start3A_295 = arith.constant 0 : i32
    %dma_start3A_296 = arith.constant 0 : i32
    %dma_start3A_297 = tpu.memref_slice %arg7[%dma_start3A_285, %dma_start3A_295, %dma_start3A_296] : memref<6x32x128xf32, #tpu.memory_space<vmem>> -> memref<1x32x128xf32, #tpu.memory_space<vmem>>
    %dma_start3A_298 = tpu.memref_squeeze %dma_start3A_297 : memref<1x32x128xf32, #tpu.memory_space<vmem>> -> memref<32x128xf32, #tpu.memory_space<vmem>>
    tpu.enqueue_dma source(%dma_start3A_298 : memref<32x128xf32, #tpu.memory_space<vmem>>) target(%dma_start3A_294 : memref<32x128xf32, #tpu.memory_space<hbm>>) target_semaphore(%dma_start3A_293 : memref<!tpu.dma_semaphore, #tpu.memory_space<semaphore_mem>>)
    %multiple_of3A_299 = arith.constant 12000 : i32
    %multiple_of3A_300 = tpu.assume_multiple %multiple_of3A_299, 8 : i32
    %dma_wait3A_301 = arith.constant 0 : i32
    %dma_wait3A_302 = arith.constant 0 : i32
    %dma_wait3A_303 = arith.constant 0 : i32
    %dma_wait3A_304 = arith.constant 0 : i32
    %dma_wait3A_305 = tpu.memref_slice %arg7[%dma_wait3A_301, %dma_wait3A_303, %dma_wait3A_304] : memref<6x32x128xf32, #tpu.memory_space<vmem>> -> memref<1x32x128xf32, #tpu.memory_space<vmem>>
    %dma_wait3A_306 = tpu.memref_squeeze %dma_wait3A_305 : memref<1x32x128xf32, #tpu.memory_space<vmem>> -> memref<32x128xf32, #tpu.memory_space<vmem>>
    %dma_wait3A_307 = arith.constant 960 : i32
    %dma_wait3A_308 = tpu.memref_slice %arg6[%dma_wait3A_307] : memref<2048xi32, #tpu.memory_space<vmem>> -> memref<32xi32, #tpu.memory_space<vmem>>
    %dma_wait3A_309 = arith.constant 0 : i32
    %dma_wait3A_310 = tpu.memref_slice %arg5[%multiple_of3A_300, %dma_wait3A_309] : memref<13000x128xf32, #tpu.memory_space<vmem_shared>> -> memref<1000x128xf32, #tpu.memory_space<vmem_shared>>
    %dma_wait3A_311 = arith.constant 0 : i32
    %dma_wait3A_312 = arith.constant 0 : i32
    %dma_wait3A_313 = tpu.memref_slice %dma_wait3A_310[%dma_wait3A_311, %dma_wait3A_312] : memref<1000x128xf32, #tpu.memory_space<vmem_shared>> -> memref<1000x128xf32, #tpu.memory_space<vmem_shared>>
    %dma_wait3A_314 = tpu.memref_slice %arg9[%dma_wait3A_302] : memref<6x!tpu.dma_semaphore, #tpu.memory_space<semaphore_mem>> -> memref<1x!tpu.dma_semaphore, #tpu.memory_space<semaphore_mem>>
    %dma_wait3A_315 = tpu.memref_squeeze %dma_wait3A_314 : memref<1x!tpu.dma_semaphore, #tpu.memory_space<semaphore_mem>> -> memref<!tpu.dma_semaphore, #tpu.memory_space<semaphore_mem>>
    tpu.wait_indirect_dma semaphore(%dma_wait3A_315 : memref<!tpu.dma_semaphore, #tpu.memory_space<semaphore_mem>>) src(%dma_wait3A_313 : memref<1000x128xf32, #tpu.memory_space<vmem_shared>>) dst(%dma_wait3A_306 : memref<32x128xf32, #tpu.memory_space<vmem>>)
    %add3A_316 = arith.constant 960 : i32
    %add3A_317 = arith.addi %mul3A_0, %add3A_316 : i32
    %add3A_318 = arith.constant 12 : i32
    %add3A_319 = arith.addi %mul3A_2, %add3A_318 : i32
    %mul3A_320 = arith.constant 128 : i32
    %mul3A_321 = arith.muli %add3A_319, %mul3A_320 : i32
    %dma_start3A_322 = arith.constant 0 : i32
    %dma_start3A_323 = arith.constant 0 : i32
    %dma_start3A_324 = arith.constant 0 : i32
    %dma_start3A_325 = arith.constant 0 : i32
    %dma_start3A_326 = tpu.memref_slice %arg7[%dma_start3A_322, %dma_start3A_324, %dma_start3A_325] : memref<6x32x128xf32, #tpu.memory_space<vmem>> -> memref<1x32x128xf32, #tpu.memory_space<vmem>>
    %dma_start3A_327 = tpu.memref_squeeze %dma_start3A_326 : memref<1x32x128xf32, #tpu.memory_space<vmem>> -> memref<32x128xf32, #tpu.memory_space<vmem>>
    %dma_start3A_328 = tpu.memref_slice %arg4[%add3A_317, %mul3A_321] : memref<16384x3328xf32, #tpu.memory_space<hbm>> -> memref<32x128xf32, #tpu.memory_space<hbm>>
    %dma_start3A_329 = tpu.memref_slice %arg10[%dma_start3A_323] : memref<6x!tpu.dma_semaphore, #tpu.memory_space<semaphore_mem>> -> memref<1x!tpu.dma_semaphore, #tpu.memory_space<semaphore_mem>>
    %dma_start3A_330 = tpu.memref_squeeze %dma_start3A_329 : memref<1x!tpu.dma_semaphore, #tpu.memory_space<semaphore_mem>> -> memref<!tpu.dma_semaphore, #tpu.memory_space<semaphore_mem>>
    %dma_start3A_331 = tpu.memref_slice %arg4[%add3A_317, %mul3A_321] : memref<16384x3328xf32, #tpu.memory_space<hbm>> -> memref<32x128xf32, #tpu.memory_space<hbm>>
    %dma_start3A_332 = arith.constant 0 : i32
    %dma_start3A_333 = arith.constant 0 : i32
    %dma_start3A_334 = tpu.memref_slice %arg7[%dma_start3A_322, %dma_start3A_332, %dma_start3A_333] : memref<6x32x128xf32, #tpu.memory_space<vmem>> -> memref<1x32x128xf32, #tpu.memory_space<vmem>>
    %dma_start3A_335 = tpu.memref_squeeze %dma_start3A_334 : memref<1x32x128xf32, #tpu.memory_space<vmem>> -> memref<32x128xf32, #tpu.memory_space<vmem>>
    tpu.enqueue_dma source(%dma_start3A_335 : memref<32x128xf32, #tpu.memory_space<vmem>>) target(%dma_start3A_331 : memref<32x128xf32, #tpu.memory_space<hbm>>) target_semaphore(%dma_start3A_330 : memref<!tpu.dma_semaphore, #tpu.memory_space<semaphore_mem>>)
    %multiple_of3A_336 = arith.constant 12000 : i32
    %multiple_of3A_337 = tpu.assume_multiple %multiple_of3A_336, 8 : i32
    %dma_wait3A_338 = arith.constant 1 : i32
    %dma_wait3A_339 = arith.constant 1 : i32
    %dma_wait3A_340 = arith.constant 0 : i32
    %dma_wait3A_341 = arith.constant 0 : i32
    %dma_wait3A_342 = tpu.memref_slice %arg7[%dma_wait3A_338, %dma_wait3A_340, %dma_wait3A_341] : memref<6x32x128xf32, #tpu.memory_space<vmem>> -> memref<1x32x128xf32, #tpu.memory_space<vmem>>
    %dma_wait3A_343 = tpu.memref_squeeze %dma_wait3A_342 : memref<1x32x128xf32, #tpu.memory_space<vmem>> -> memref<32x128xf32, #tpu.memory_space<vmem>>
    %dma_wait3A_344 = arith.constant 992 : i32
    %dma_wait3A_345 = tpu.memref_slice %arg6[%dma_wait3A_344] : memref<2048xi32, #tpu.memory_space<vmem>> -> memref<32xi32, #tpu.memory_space<vmem>>
    %dma_wait3A_346 = arith.constant 0 : i32
    %dma_wait3A_347 = tpu.memref_slice %arg5[%multiple_of3A_337, %dma_wait3A_346] : memref<13000x128xf32, #tpu.memory_space<vmem_shared>> -> memref<1000x128xf32, #tpu.memory_space<vmem_shared>>
    %dma_wait3A_348 = arith.constant 0 : i32
    %dma_wait3A_349 = arith.constant 0 : i32
    %dma_wait3A_350 = tpu.memref_slice %dma_wait3A_347[%dma_wait3A_348, %dma_wait3A_349] : memref<1000x128xf32, #tpu.memory_space<vmem_shared>> -> memref<1000x128xf32, #tpu.memory_space<vmem_shared>>
    %dma_wait3A_351 = tpu.memref_slice %arg9[%dma_wait3A_339] : memref<6x!tpu.dma_semaphore, #tpu.memory_space<semaphore_mem>> -> memref<1x!tpu.dma_semaphore, #tpu.memory_space<semaphore_mem>>
    %dma_wait3A_352 = tpu.memref_squeeze %dma_wait3A_351 : memref<1x!tpu.dma_semaphore, #tpu.memory_space<semaphore_mem>> -> memref<!tpu.dma_semaphore, #tpu.memory_space<semaphore_mem>>
    tpu.wait_indirect_dma semaphore(%dma_wait3A_352 : memref<!tpu.dma_semaphore, #tpu.memory_space<semaphore_mem>>) src(%dma_wait3A_350 : memref<1000x128xf32, #tpu.memory_space<vmem_shared>>) dst(%dma_wait3A_343 : memref<32x128xf32, #tpu.memory_space<vmem>>)
    %add3A_353 = arith.constant 992 : i32
    %add3A_354 = arith.addi %mul3A_0, %add3A_353 : i32
    %add3A_355 = arith.constant 12 : i32
    %add3A_356 = arith.addi %mul3A_2, %add3A_355 : i32
    %mul3A_357 = arith.constant 128 : i32
    %mul3A_358 = arith.muli %add3A_356, %mul3A_357 : i32
    %dma_start3A_359 = arith.constant 1 : i32
    %dma_start3A_360 = arith.constant 1 : i32
    %dma_start3A_361 = arith.constant 0 : i32
    %dma_start3A_362 = arith.constant 0 : i32
    %dma_start3A_363 = tpu.memref_slice %arg7[%dma_start3A_359, %dma_start3A_361, %dma_start3A_362] : memref<6x32x128xf32, #tpu.memory_space<vmem>> -> memref<1x32x128xf32, #tpu.memory_space<vmem>>
    %dma_start3A_364 = tpu.memref_squeeze %dma_start3A_363 : memref<1x32x128xf32, #tpu.memory_space<vmem>> -> memref<32x128xf32, #tpu.memory_space<vmem>>
    %dma_start3A_365 = tpu.memref_slice %arg4[%add3A_354, %mul3A_358] : memref<16384x3328xf32, #tpu.memory_space<hbm>> -> memref<32x128xf32, #tpu.memory_space<hbm>>
    %dma_start3A_366 = tpu.memref_slice %arg10[%dma_start3A_360] : memref<6x!tpu.dma_semaphore, #tpu.memory_space<semaphore_mem>> -> memref<1x!tpu.dma_semaphore, #tpu.memory_space<semaphore_mem>>
    %dma_start3A_367 = tpu.memref_squeeze %dma_start3A_366 : memref<1x!tpu.dma_semaphore, #tpu.memory_space<semaphore_mem>> -> memref<!tpu.dma_semaphore, #tpu.memory_space<semaphore_mem>>
    %dma_start3A_368 = tpu.memref_slice %arg4[%add3A_354, %mul3A_358] : memref<16384x3328xf32, #tpu.memory_space<hbm>> -> memref<32x128xf32, #tpu.memory_space<hbm>>
    %dma_start3A_369 = arith.constant 0 : i32
    %dma_start3A_370 = arith.constant 0 : i32
    %dma_start3A_371 = tpu.memref_slice %arg7[%dma_start3A_359, %dma_start3A_369, %dma_start3A_370] : memref<6x32x128xf32, #tpu.memory_space<vmem>> -> memref<1x32x128xf32, #tpu.memory_space<vmem>>
    %dma_start3A_372 = tpu.memref_squeeze %dma_start3A_371 : memref<1x32x128xf32, #tpu.memory_space<vmem>> -> memref<32x128xf32, #tpu.memory_space<vmem>>
    tpu.enqueue_dma source(%dma_start3A_372 : memref<32x128xf32, #tpu.memory_space<vmem>>) target(%dma_start3A_368 : memref<32x128xf32, #tpu.memory_space<hbm>>) target_semaphore(%dma_start3A_367 : memref<!tpu.dma_semaphore, #tpu.memory_space<semaphore_mem>>)
    %add3A_373 = arith.constant 832 : i32
    %add3A_374 = arith.addi %mul3A_0, %add3A_373 : i32
    %add3A_375 = arith.constant 12 : i32
    %add3A_376 = arith.addi %mul3A_2, %add3A_375 : i32
    %mul3A_377 = arith.constant 128 : i32
    %mul3A_378 = arith.muli %add3A_376, %mul3A_377 : i32
    %dma_wait3A_379 = arith.constant 2 : i32
    %dma_wait3A_380 = arith.constant 2 : i32
    %dma_wait3A_381 = arith.constant 0 : i32
    %dma_wait3A_382 = arith.constant 0 : i32
    %dma_wait3A_383 = tpu.memref_slice %arg7[%dma_wait3A_379, %dma_wait3A_381, %dma_wait3A_382] : memref<6x32x128xf32, #tpu.memory_space<vmem>> -> memref<1x32x128xf32, #tpu.memory_space<vmem>>
    %dma_wait3A_384 = tpu.memref_squeeze %dma_wait3A_383 : memref<1x32x128xf32, #tpu.memory_space<vmem>> -> memref<32x128xf32, #tpu.memory_space<vmem>>
    %dma_wait3A_385 = tpu.memref_slice %arg4[%add3A_374, %mul3A_378] : memref<16384x3328xf32, #tpu.memory_space<hbm>> -> memref<32x128xf32, #tpu.memory_space<hbm>>
    %dma_wait3A_386 = tpu.memref_slice %arg10[%dma_wait3A_380] : memref<6x!tpu.dma_semaphore, #tpu.memory_space<semaphore_mem>> -> memref<1x!tpu.dma_semaphore, #tpu.memory_space<semaphore_mem>>
    %dma_wait3A_387 = tpu.memref_squeeze %dma_wait3A_386 : memref<1x!tpu.dma_semaphore, #tpu.memory_space<semaphore_mem>> -> memref<!tpu.dma_semaphore, #tpu.memory_space<semaphore_mem>>
    %dma_wait3A_388 = tpu.memref_slice %arg4[%add3A_374, %mul3A_378] : memref<16384x3328xf32, #tpu.memory_space<hbm>> -> memref<32x128xf32, #tpu.memory_space<hbm>>
    %dma_wait3A_389 = arith.constant 0 : i32
    %dma_wait3A_390 = arith.constant 0 : i32
    %dma_wait3A_391 = tpu.memref_slice %arg7[%dma_wait3A_379, %dma_wait3A_389, %dma_wait3A_390] : memref<6x32x128xf32, #tpu.memory_space<vmem>> -> memref<1x32x128xf32, #tpu.memory_space<vmem>>
    %dma_wait3A_392 = tpu.memref_squeeze %dma_wait3A_391 : memref<1x32x128xf32, #tpu.memory_space<vmem>> -> memref<32x128xf32, #tpu.memory_space<vmem>>
    tpu.wait_dma2 semaphore(%dma_wait3A_387 : memref<!tpu.dma_semaphore, #tpu.memory_space<semaphore_mem>>) src(%dma_wait3A_392 : memref<32x128xf32, #tpu.memory_space<vmem>>) dst(%dma_wait3A_388 : memref<32x128xf32, #tpu.memory_space<hbm>>)
    %add3A_393 = arith.constant 864 : i32
    %add3A_394 = arith.addi %mul3A_0, %add3A_393 : i32
    %add3A_395 = arith.constant 12 : i32
    %add3A_396 = arith.addi %mul3A_2, %add3A_395 : i32
    %mul3A_397 = arith.constant 128 : i32
    %mul3A_398 = arith.muli %add3A_396, %mul3A_397 : i32
    %dma_wait3A_399 = arith.constant 3 : i32
    %dma_wait3A_400 = arith.constant 3 : i32
    %dma_wait3A_401 = arith.constant 0 : i32
    %dma_wait3A_402 = arith.constant 0 : i32
    %dma_wait3A_403 = tpu.memref_slice %arg7[%dma_wait3A_399, %dma_wait3A_401, %dma_wait3A_402] : memref<6x32x128xf32, #tpu.memory_space<vmem>> -> memref<1x32x128xf32, #tpu.memory_space<vmem>>
    %dma_wait3A_404 = tpu.memref_squeeze %dma_wait3A_403 : memref<1x32x128xf32, #tpu.memory_space<vmem>> -> memref<32x128xf32, #tpu.memory_space<vmem>>
    %dma_wait3A_405 = tpu.memref_slice %arg4[%add3A_394, %mul3A_398] : memref<16384x3328xf32, #tpu.memory_space<hbm>> -> memref<32x128xf32, #tpu.memory_space<hbm>>
    %dma_wait3A_406 = tpu.memref_slice %arg10[%dma_wait3A_400] : memref<6x!tpu.dma_semaphore, #tpu.memory_space<semaphore_mem>> -> memref<1x!tpu.dma_semaphore, #tpu.memory_space<semaphore_mem>>
    %dma_wait3A_407 = tpu.memref_squeeze %dma_wait3A_406 : memref<1x!tpu.dma_semaphore, #tpu.memory_space<semaphore_mem>> -> memref<!tpu.dma_semaphore, #tpu.memory_space<semaphore_mem>>
    %dma_wait3A_408 = tpu.memref_slice %arg4[%add3A_394, %mul3A_398] : memref<16384x3328xf32, #tpu.memory_space<hbm>> -> memref<32x128xf32, #tpu.memory_space<hbm>>
    %dma_wait3A_409 = arith.constant 0 : i32
    %dma_wait3A_410 = arith.constant 0 : i32
    %dma_wait3A_411 = tpu.memref_slice %arg7[%dma_wait3A_399, %dma_wait3A_409, %dma_wait3A_410] : memref<6x32x128xf32, #tpu.memory_space<vmem>> -> memref<1x32x128xf32, #tpu.memory_space<vmem>>
    %dma_wait3A_412 = tpu.memref_squeeze %dma_wait3A_411 : memref<1x32x128xf32, #tpu.memory_space<vmem>> -> memref<32x128xf32, #tpu.memory_space<vmem>>
    tpu.wait_dma2 semaphore(%dma_wait3A_407 : memref<!tpu.dma_semaphore, #tpu.memory_space<semaphore_mem>>) src(%dma_wait3A_412 : memref<32x128xf32, #tpu.memory_space<vmem>>) dst(%dma_wait3A_408 : memref<32x128xf32, #tpu.memory_space<hbm>>)
    %add3A_413 = arith.constant 896 : i32
    %add3A_414 = arith.addi %mul3A_0, %add3A_413 : i32
    %add3A_415 = arith.constant 12 : i32
    %add3A_416 = arith.addi %mul3A_2, %add3A_415 : i32
    %mul3A_417 = arith.constant 128 : i32
    %mul3A_418 = arith.muli %add3A_416, %mul3A_417 : i32
    %dma_wait3A_419 = arith.constant 4 : i32
    %dma_wait3A_420 = arith.constant 4 : i32
    %dma_wait3A_421 = arith.constant 0 : i32
    %dma_wait3A_422 = arith.constant 0 : i32
    %dma_wait3A_423 = tpu.memref_slice %arg7[%dma_wait3A_419, %dma_wait3A_421, %dma_wait3A_422] : memref<6x32x128xf32, #tpu.memory_space<vmem>> -> memref<1x32x128xf32, #tpu.memory_space<vmem>>
    %dma_wait3A_424 = tpu.memref_squeeze %dma_wait3A_423 : memref<1x32x128xf32, #tpu.memory_space<vmem>> -> memref<32x128xf32, #tpu.memory_space<vmem>>
    %dma_wait3A_425 = tpu.memref_slice %arg4[%add3A_414, %mul3A_418] : memref<16384x3328xf32, #tpu.memory_space<hbm>> -> memref<32x128xf32, #tpu.memory_space<hbm>>
    %dma_wait3A_426 = tpu.memref_slice %arg10[%dma_wait3A_420] : memref<6x!tpu.dma_semaphore, #tpu.memory_space<semaphore_mem>> -> memref<1x!tpu.dma_semaphore, #tpu.memory_space<semaphore_mem>>
    %dma_wait3A_427 = tpu.memref_squeeze %dma_wait3A_426 : memref<1x!tpu.dma_semaphore, #tpu.memory_space<semaphore_mem>> -> memref<!tpu.dma_semaphore, #tpu.memory_space<semaphore_mem>>
    %dma_wait3A_428 = tpu.memref_slice %arg4[%add3A_414, %mul3A_418] : memref<16384x3328xf32, #tpu.memory_space<hbm>> -> memref<32x128xf32, #tpu.memory_space<hbm>>
    %dma_wait3A_429 = arith.constant 0 : i32
    %dma_wait3A_430 = arith.constant 0 : i32
    %dma_wait3A_431 = tpu.memref_slice %arg7[%dma_wait3A_419, %dma_wait3A_429, %dma_wait3A_430] : memref<6x32x128xf32, #tpu.memory_space<vmem>> -> memref<1x32x128xf32, #tpu.memory_space<vmem>>
    %dma_wait3A_432 = tpu.memref_squeeze %dma_wait3A_431 : memref<1x32x128xf32, #tpu.memory_space<vmem>> -> memref<32x128xf32, #tpu.memory_space<vmem>>
    tpu.wait_dma2 semaphore(%dma_wait3A_427 : memref<!tpu.dma_semaphore, #tpu.memory_space<semaphore_mem>>) src(%dma_wait3A_432 : memref<32x128xf32, #tpu.memory_space<vmem>>) dst(%dma_wait3A_428 : memref<32x128xf32, #tpu.memory_space<hbm>>)
    %add3A_433 = arith.constant 928 : i32
    %add3A_434 = arith.addi %mul3A_0, %add3A_433 : i32
    %add3A_435 = arith.constant 12 : i32
    %add3A_436 = arith.addi %mul3A_2, %add3A_435 : i32
    %mul3A_437 = arith.constant 128 : i32
    %mul3A_438 = arith.muli %add3A_436, %mul3A_437 : i32
    %dma_wait3A_439 = arith.constant 5 : i32
    %dma_wait3A_440 = arith.constant 5 : i32
    %dma_wait3A_441 = arith.constant 0 : i32
    %dma_wait3A_442 = arith.constant 0 : i32
    %dma_wait3A_443 = tpu.memref_slice %arg7[%dma_wait3A_439, %dma_wait3A_441, %dma_wait3A_442] : memref<6x32x128xf32, #tpu.memory_space<vmem>> -> memref<1x32x128xf32, #tpu.memory_space<vmem>>
    %dma_wait3A_444 = tpu.memref_squeeze %dma_wait3A_443 : memref<1x32x128xf32, #tpu.memory_space<vmem>> -> memref<32x128xf32, #tpu.memory_space<vmem>>
    %dma_wait3A_445 = tpu.memref_slice %arg4[%add3A_434, %mul3A_438] : memref<16384x3328xf32, #tpu.memory_space<hbm>> -> memref<32x128xf32, #tpu.memory_space<hbm>>
    %dma_wait3A_446 = tpu.memref_slice %arg10[%dma_wait3A_440] : memref<6x!tpu.dma_semaphore, #tpu.memory_space<semaphore_mem>> -> memref<1x!tpu.dma_semaphore, #tpu.memory_space<semaphore_mem>>
    %dma_wait3A_447 = tpu.memref_squeeze %dma_wait3A_446 : memref<1x!tpu.dma_semaphore, #tpu.memory_space<semaphore_mem>> -> memref<!tpu.dma_semaphore, #tpu.memory_space<semaphore_mem>>
    %dma_wait3A_448 = tpu.memref_slice %arg4[%add3A_434, %mul3A_438] : memref<16384x3328xf32, #tpu.memory_space<hbm>> -> memref<32x128xf32, #tpu.memory_space<hbm>>
    %dma_wait3A_449 = arith.constant 0 : i32
    %dma_wait3A_450 = arith.constant 0 : i32
    %dma_wait3A_451 = tpu.memref_slice %arg7[%dma_wait3A_439, %dma_wait3A_449, %dma_wait3A_450] : memref<6x32x128xf32, #tpu.memory_space<vmem>> -> memref<1x32x128xf32, #tpu.memory_space<vmem>>
    %dma_wait3A_452 = tpu.memref_squeeze %dma_wait3A_451 : memref<1x32x128xf32, #tpu.memory_space<vmem>> -> memref<32x128xf32, #tpu.memory_space<vmem>>
    tpu.wait_dma2 semaphore(%dma_wait3A_447 : memref<!tpu.dma_semaphore, #tpu.memory_space<semaphore_mem>>) src(%dma_wait3A_452 : memref<32x128xf32, #tpu.memory_space<vmem>>) dst(%dma_wait3A_448 : memref<32x128xf32, #tpu.memory_space<hbm>>)
    %add3A_453 = arith.constant 960 : i32
    %add3A_454 = arith.addi %mul3A_0, %add3A_453 : i32
    %add3A_455 = arith.constant 12 : i32
    %add3A_456 = arith.addi %mul3A_2, %add3A_455 : i32
    %mul3A_457 = arith.constant 128 : i32
    %mul3A_458 = arith.muli %add3A_456, %mul3A_457 : i32
    %dma_wait3A_459 = arith.constant 0 : i32
    %dma_wait3A_460 = arith.constant 0 : i32
    %dma_wait3A_461 = arith.constant 0 : i32
    %dma_wait3A_462 = arith.constant 0 : i32
    %dma_wait3A_463 = tpu.memref_slice %arg7[%dma_wait3A_459, %dma_wait3A_461, %dma_wait3A_462] : memref<6x32x128xf32, #tpu.memory_space<vmem>> -> memref<1x32x128xf32, #tpu.memory_space<vmem>>
    %dma_wait3A_464 = tpu.memref_squeeze %dma_wait3A_463 : memref<1x32x128xf32, #tpu.memory_space<vmem>> -> memref<32x128xf32, #tpu.memory_space<vmem>>
    %dma_wait3A_465 = tpu.memref_slice %arg4[%add3A_454, %mul3A_458] : memref<16384x3328xf32, #tpu.memory_space<hbm>> -> memref<32x128xf32, #tpu.memory_space<hbm>>
    %dma_wait3A_466 = tpu.memref_slice %arg10[%dma_wait3A_460] : memref<6x!tpu.dma_semaphore, #tpu.memory_space<semaphore_mem>> -> memref<1x!tpu.dma_semaphore, #tpu.memory_space<semaphore_mem>>
    %dma_wait3A_467 = tpu.memref_squeeze %dma_wait3A_466 : memref<1x!tpu.dma_semaphore, #tpu.memory_space<semaphore_mem>> -> memref<!tpu.dma_semaphore, #tpu.memory_space<semaphore_mem>>
    %dma_wait3A_468 = tpu.memref_slice %arg4[%add3A_454, %mul3A_458] : memref<16384x3328xf32, #tpu.memory_space<hbm>> -> memref<32x128xf32, #tpu.memory_space<hbm>>
    %dma_wait3A_469 = arith.constant 0 : i32
    %dma_wait3A_470 = arith.constant 0 : i32
    %dma_wait3A_471 = tpu.memref_slice %arg7[%dma_wait3A_459, %dma_wait3A_469, %dma_wait3A_470] : memref<6x32x128xf32, #tpu.memory_space<vmem>> -> memref<1x32x128xf32, #tpu.memory_space<vmem>>
    %dma_wait3A_472 = tpu.memref_squeeze %dma_wait3A_471 : memref<1x32x128xf32, #tpu.memory_space<vmem>> -> memref<32x128xf32, #tpu.memory_space<vmem>>
    tpu.wait_dma2 semaphore(%dma_wait3A_467 : memref<!tpu.dma_semaphore, #tpu.memory_space<semaphore_mem>>) src(%dma_wait3A_472 : memref<32x128xf32, #tpu.memory_space<vmem>>) dst(%dma_wait3A_468 : memref<32x128xf32, #tpu.memory_space<hbm>>)
    %add3A_473 = arith.constant 992 : i32
    %add3A_474 = arith.addi %mul3A_0, %add3A_473 : i32
    %add3A_475 = arith.constant 12 : i32
    %add3A_476 = arith.addi %mul3A_2, %add3A_475 : i32
    %mul3A_477 = arith.constant 128 : i32
    %mul3A_478 = arith.muli %add3A_476, %mul3A_477 : i32
    %dma_wait3A_479 = arith.constant 1 : i32
    %dma_wait3A_480 = arith.constant 1 : i32
    %dma_wait3A_481 = arith.constant 0 : i32
    %dma_wait3A_482 = arith.constant 0 : i32
    %dma_wait3A_483 = tpu.memref_slice %arg7[%dma_wait3A_479, %dma_wait3A_481, %dma_wait3A_482] : memref<6x32x128xf32, #tpu.memory_space<vmem>> -> memref<1x32x128xf32, #tpu.memory_space<vmem>>
    %dma_wait3A_484 = tpu.memref_squeeze %dma_wait3A_483 : memref<1x32x128xf32, #tpu.memory_space<vmem>> -> memref<32x128xf32, #tpu.memory_space<vmem>>
    %dma_wait3A_485 = tpu.memref_slice %arg4[%add3A_474, %mul3A_478] : memref<16384x3328xf32, #tpu.memory_space<hbm>> -> memref<32x128xf32, #tpu.memory_space<hbm>>
    %dma_wait3A_486 = tpu.memref_slice %arg10[%dma_wait3A_480] : memref<6x!tpu.dma_semaphore, #tpu.memory_space<semaphore_mem>> -> memref<1x!tpu.dma_semaphore, #tpu.memory_space<semaphore_mem>>
    %dma_wait3A_487 = tpu.memref_squeeze %dma_wait3A_486 : memref<1x!tpu.dma_semaphore, #tpu.memory_space<semaphore_mem>> -> memref<!tpu.dma_semaphore, #tpu.memory_space<semaphore_mem>>
    %dma_wait3A_488 = tpu.memref_slice %arg4[%add3A_474, %mul3A_478] : memref<16384x3328xf32, #tpu.memory_space<hbm>> -> memref<32x128xf32, #tpu.memory_space<hbm>>
    %dma_wait3A_489 = arith.constant 0 : i32
    %dma_wait3A_490 = arith.constant 0 : i32
    %dma_wait3A_491 = tpu.memref_slice %arg7[%dma_wait3A_479, %dma_wait3A_489, %dma_wait3A_490] : memref<6x32x128xf32, #tpu.memory_space<vmem>> -> memref<1x32x128xf32, #tpu.memory_space<vmem>>
    %dma_wait3A_492 = tpu.memref_squeeze %dma_wait3A_491 : memref<1x32x128xf32, #tpu.memory_space<vmem>> -> memref<32x128xf32, #tpu.memory_space<vmem>>
    tpu.wait_dma2 semaphore(%dma_wait3A_487 : memref<!tpu.dma_semaphore, #tpu.memory_space<semaphore_mem>>) src(%dma_wait3A_492 : memref<32x128xf32, #tpu.memory_space<vmem>>) dst(%dma_wait3A_488 : memref<32x128xf32, #tpu.memory_space<hbm>>)
    return
  }
}

</mosaic_0001>

<sc_bundles>
// kernel: kernel.3.cloned.1.call-start
scs
__scs_entry_jumppad:
0x0: {  	(pc) =	sbr.rel $0x88, $3  }
0x1: {  	(tag) =	ssettag $0x0;
	lr =	simm.s32 $0x1  }
0x2: {  	[smem:$0x3F9F] =	sst lr;
	_ =	strace $0xD0000000  }
0x3: {  	_ = 	snop  }
0x4: {  	_ = 	snop  }
0x5: {  	_ = 	snop  }
0x6: {  	_ = 	snop  }
0x7: {  	_ = 	snop  }
__scs_overlays_trampoline_lowered:
0x8: {  	[smem:$0x3FAE] =	sst s0  }
0x9: {  	[smem:$0x3FAF] =	sst s1  }
0xa: {  	[smem:$0x3FB0] =	sst s2  }
0xb: {  	[smem:$0x3FB1] =	sst s3  }
0xc: {  	[smem:$0x3FB2] =	sst s4  }
0xd: {  	[smem:$0x3FB3] =	sst s5  }
0xe: {  	[smem:$0x3FB4] =	sst s6  }
0xf: {  	[smem:$0x3FB5] =	sst s7  }
0x10: {  	[smem:$0x3FB6] =	sst s8  }
0x11: {  	[smem:$0x3FB7] =	sst s9;
	s0 =	simm.s32 @!p0 $0x0  }
0x12: {  	s1 =	sld [smem:$0x3F9D];
	s0 =	simm.s32 @p0 $0x1  }
0x13: {  	[smem:$0x3FB8] =	sst s0;
	s0 =	simm.s32 @!p1 $0x0  }
0x14: {  	s2 =	sld [smem:$0x3F9C];
	s0 =	simm.s32 @p1 $0x1  }
0x15: {  	[smem:$0x3FB9] =	sst s0;
	s0 =	simm.s32 @!p2 $0x0  }
0x16: {  	s3 =	sld [smem:$0x3FDB];
	s0 =	simm.s32 @p2 $0x1  }
0x17: {  	s4 =	simm.s32 $0x1BF5;
	[smem:$0x3FBB] =	sst s0  }
0x18: {  	s0 =	sld [smem:$0x3F9E];
	_ =	swait.ge [sflag:s4], $0x0  }
0x19: {  	s7 =	sld [smem:$0x3F9F]  }
0x1a: {  	s8 =	sadd.s32 $0xFFFFE003, lr  }
0x1b: {  	s9 =	sadd.s32 $0xFFFFFEF7, lr;
	s5 =	simm.s32 $0xFFFFFFFF;
	p2 =	slt.u32 s8, $0xFFFFF086  }
0x1c: {  	p1 =	slt.u32 s9, $0xF7A;
	s5 =	simm.s32 @!p2 $0x0  }
0x1d: {  	s5 =	simm.s32 @p1 $0x1;
	p0 =	seq.s32 s7, s2  }
0x1e: {  	s7 =	smul.u32 @!p0 $0xF7A, s2;
	p2 =	seq.s32 @!p0 s5, $0x0  }
0x1f: {  	s9 =	smul.u32 $0xF7A, s1;
	s8 =	simm.s32 @!p0 $0x1BF5;
	p2 =	por !p2, p0  }
0x20: {  	[sflag:s8] =	ssyncset.s32 @!p0 $0xFFFFF086;
	s6 =	sadd.s32 @!p0 s3, s7;
	s7 =	simm.s32 @!p0 $0x108  }
0x21: {  	s3 =	sadd.s32 s3, s9;
	s6 =	sadd.s32 @!p0 $0x88, s6;
	s7 =	simm.s32 @p2 $0x1082  }
0x22: {  	[simem:s7], [sflag:s8] =	dma.local @!p0 [hbm:s6], $0xF7A  }
0x23: {  	s9 =	sor.u32 $0xD0000000, s2;
	s6 =	simm.s32 $0x108;
	_ =	swait.ge @!p0 [sflag:s8], $0x0  }
0x24: {  	s3 =	sadd.s32 $0x88, s3;
	s6 =	simm.s32 @!p1 $0x1082;
	[sflag:s4] =	ssyncset.s32 $0xFFFFF086  }
0x25: {  	[simem:s6], [sflag:s4] =	dma.local [hbm:s3], $0xF7A  }
0x26: {  	[smem:$0x3F9F] =	sst s1;
	(tag) =	ssettag s2;
	_ =	strace s9  }
0x27: {  	s1 =	sld [smem:$0x3FAF]  }
0x28: {  	s2 =	sld [smem:$0x3FB0]  }
0x29: {  	s4 =	sld [smem:$0x3FB2]  }
0x2a: {  	p0 =	seq.s32 s5, $0x0;
	s5 =	sld [smem:$0x3FB3]  }
0x2b: {  	s6 =	sld [smem:$0x3FB4]  }
0x2c: {  	s7 =	sld [smem:$0x3FB5]  }
0x2d: {  	s3 =	simm.s32 $0x108;
	s8 =	sld [smem:$0x3FB6]  }
0x2e: {  	s3 =	simm.s32 @!p0 $0x1082;
	s9 =	sld [smem:$0x3FB7]  }
0x2f: {  	lr =	sadd.s32 s0, s3;
	s0 =	sld [smem:$0x3FAE]  }
0x30: {  	s3 =	sld [smem:$0x3FB1]  }
0x31: {  	[smem:$0x3FBA] =	sst s10  }
0x32: {  	s10 =	sld [smem:$0x3FB8];
	_ =	sdelay $0x3  }
0x33: {  	p0 =	seq.s32 s10, $0x1;
	s10 =	sld [smem:$0x3FBA];
	_ =	sdelay $0x3  }
0x34: {  	[smem:$0x3FBA] =	sst s10  }
0x35: {  	s10 =	sld [smem:$0x3FB9];
	_ =	sdelay $0x3  }
0x36: {  	p1 =	seq.s32 s10, $0x1;
	s10 =	sld [smem:$0x3FBA];
	_ =	sdelay $0x3  }
0x37: {  	[smem:$0x3FBA] =	sst s10  }
0x38: {  	s10 =	sld [smem:$0x3FBB]  }
0x39: {  	_ = 	snop;
	(pc) =	sbr.ind lr, $3  }
0x3a: {  	_ = 	snop  }
0x3b: {  	_ = 	snop  }
0x3c: {  	p2 =	seq.s32 s10, $0x1;
	s10 =	sld [smem:$0x3FBA]  }
0x3d: {  	_ =	shalt  }
0x3e: {  	_ =	shalt  }
0x3f: {  	_ =	shalt  }
0x40: {  	_ =	shalt  }
0x41: {  	_ =	shalt  }
0x42: {  	_ =	shalt  }
0x43: {  	_ =	shalt  }
0x44: {  	_ =	shalt  }
0x45: {  	_ =	shalt  }
0x46: {  	_ =	shalt  }
0x47: {  	_ =	shalt  }
0x48: {  	_ =	shalt  }
0x49: {  	_ =	shalt  }
0x4a: {  	_ =	shalt  }
0x4b: {  	_ =	shalt  }
0x4c: {  	_ =	shalt  }
0x4d: {  	_ =	shalt  }
0x4e: {  	_ =	shalt  }
0x4f: {  	_ =	shalt  }
0x50: {  	_ =	shalt  }
0x51: {  	_ =	shalt  }
0x52: {  	_ =	shalt  }
0x53: {  	_ =	shalt  }
0x54: {  	_ =	shalt  }
0x55: {  	_ =	shalt  }
0x56: {  	_ =	shalt  }
0x57: {  	_ =	shalt  }
0x58: {  	_ =	shalt  }
0x59: {  	_ =	shalt  }
0x5a: {  	_ =	shalt  }
0x5b: {  	_ =	shalt  }
0x5c: {  	_ =	shalt  }
0x5d: {  	_ =	shalt  }
0x5e: {  	_ =	shalt  }
0x5f: {  	_ =	shalt  }
0x60: {  	_ =	shalt  }
0x61: {  	_ =	shalt  }
0x62: {  	_ =	shalt  }
0x63: {  	_ =	shalt  }
0x64: {  	_ =	shalt  }
0x65: {  	_ =	shalt  }
0x66: {  	_ =	shalt  }
0x67: {  	_ =	shalt  }
0x68: {  	_ =	shalt  }
0x69: {  	_ =	shalt  }
0x6a: {  	_ =	shalt  }
0x6b: {  	_ =	shalt  }
0x6c: {  	_ =	shalt  }
0x6d: {  	_ =	shalt  }
0x6e: {  	_ =	shalt  }
0x6f: {  	_ =	shalt  }
0x70: {  	_ =	shalt  }
0x71: {  	_ =	shalt  }
0x72: {  	_ =	shalt  }
0x73: {  	_ =	shalt  }
0x74: {  	_ =	shalt  }
0x75: {  	_ =	shalt  }
0x76: {  	_ =	shalt  }
0x77: {  	_ =	shalt  }
0x78: {  	_ =	shalt  }
0x79: {  	_ =	shalt  }
0x7a: {  	_ =	shalt  }
0x7b: {  	_ =	shalt  }
0x7c: {  	_ =	shalt  }
0x7d: {  	_ =	shalt  }
0x7e: {  	_ =	shalt  }
0x7f: {  	_ =	shalt  }
0x80: {  	_ =	shalt  }
0x81: {  	_ =	shalt  }
0x82: {  	_ =	shalt  }
0x83: {  	_ =	shalt  }
0x84: {  	_ =	shalt  }
0x85: {  	_ =	shalt  }
0x86: {  	_ =	shalt  }
0x87: {  	_ =	shalt  }
.Lfunc_end0:
.L_simem_size_0:
called_computation_lowered:
.L_overlay_start_0:
0x88: {  	s2 =	sld [smem:$0x3FD9]  }
0x89: {  	s3 =	sld [smem:$0x3FFE];
	_ =	sdelay $0x1  }
0x8a: {  	s1 =	srdreg.scid  }
0x8b: {  	s0 =	sand.u32 $0x1, s1  }
0x8c: {  	s17 =	sshll.u32 s0, $0xA;
	s2 =	sadd.s32 s3, s2  }
0x8d: {  	s2 =	sadd.s32 s2, s17  }
0x8e: {  	[smem:$0x3FC6] =	sst s2  }
0x8f: {  	_ = 	snop  }
0x90: {  	s2 =	sld [smem:$0x3FC8]  }
0x91: {  	s18 =	sld [smem:$0x3FD0];
	(tm) =	ssettm $0x1  }
0x92: {  	s4 =	sld [smem:$0x3FFB];
	_ =	sdelay $0x3  }
0x93: {  	_ =	strace s4  }
0x94: {  	s4 =	sld [smem:$0x3FFC];
	_ =	sdelay $0x3  }
0x95: {  	_ =	strace s4  }
0x96: {  	s4 =	sld [smem:$0x3FFD];
	_ =	sdelay $0x3  }
0x97: {  	_ =	strace s4  }
0x98: {  	_ =	strace $0x8FFFFFFF  }
0x99: {  	s19 =	sld [smem:$0x3FDB];
	_ =	sdelay $0x1  }
0x9a: {  	s5 =	simm.s32 $_scs_section_size  }
0x9b: {  	s6 =	simm.s32 $_size__tile_overlayer_lowered;
	s7 =	simm.s32 $_tile_overlayer_lowered  }
0x9c: {  	s22 =	simm.s32 $0x1BFF;
	s21 =	sshll.u32 s7, $0x1;
	s4 =	sadd.s32 s5, s19  }
0x9d: {  	s8 =	simm.s32 $0x0;
	s20 =	sshll.u32 s6, $0x1;
	s6 =	sadd.s32 s21, s4  }
0x9e: {  	[timem:s8], [sflag:s22] =	dma.local [hbm:s6], s20  }
0x9f: {  	_ =	swait.ge [sflag:s22], s20  }
0xa0: {  	s5 =	ssub.s32 $0x0, s20;
	[sflag:s22] =	ssyncset.done $0x0  }
0xa1: {  	[sflag:s22] =	ssyncadd.s32 s5;
	_ =	sdelay $0x1  }
0xa2: {  	s23 =	simm.s32 $0x1B8B  }
0xa3: {  	_ =	swait.ge [sflag:s23], $0x1  }
0xa4: {  	[sflag:s23] =	ssyncset.done $0x0  }
0xa5: {  	s25 =	simm.s32 $0x1B8E;
	s24 =	sld [smem:$0x3FFE];
	[sflag:s23] =	ssyncadd.s32 $0xFFFFFFFF  }
0xa6: {  	s26 =	simm.s32 $execute0_lowered;
	[smem:$0x3FD2] =	sst s25  }
0xa7: {  	s6 =	sshll.u32 s26, $0x1;
	_ =	strace $0x80000046;
	[dreg:$0x1] =	wrdreg $0xFFFFFFFF  }
0xa8: {  	s28 =	simm.s32 $_size_execute0_lowered;
	s4 =	sadd.s32 s4, s6;
	[dreg:$0x0] =	wrdreg $0x0  }
0xa9: {  	s6 =	sshll.u32 s28, $0x1;
	[dreg:$0x2] =	wrdreg s4  }
0xaa: {  	[dreg:$0x3] =	wrdreg s6  }
0xab: {  	[dreg:$0x4] =	wrdreg $0xC0  }
0xac: {  	_ =	task [dreg:s8], $0x5FFFF  }
0xad: {  	[dreg:$0x1] =	wrdreg $0xFFFFFFFF  }
0xae: {  	[dreg:$0x0] =	wrdreg $0x60  }
0xaf: {  	[dreg:$0x2] =	wrdreg s24  }
0xb0: {  	[dreg:$0x3] =	wrdreg s2  }
0xb1: {  	[dreg:$0x4] =	wrdreg s18  }
0xb2: {  	[dreg:$0x5] =	wrdreg $0x0  }
0xb3: {  	[dreg:$0x6] =	wrdreg $0x9  }
0xb4: {  	_ =	task.clear_ibuf [dreg:s8], $0x7FFFF;
	_ =	strace $0x90000046  }
0xb5: {  	s29 =	simm.s32 $0x9;
	_ =	strace $0x80000048  }
0xb6: {  	_ =	swait.ge [sflag:s29], $0x1  }
0xb7: {  	[sflag:s29] =	ssyncadd.s32 $0xFFFFFFFF  }
0xb8: {  	_ =	strace $0x90000048  }
0xb9: {  	_ =	sfence  }
0xba: {  	s30 =	sld [smem:$0x0];
	_ =	sdelay $0x2  }
0xbb: {  	s31 =	sshll.u32 s1, $0xD;
	s1 =	sshrl.u32 s1, $0x2  }
0xbc: {  	s3 =	sand.u32 $0x4000, s31;
	s1 =	sadd.s32 s1, s30  }
0xbd: {  	s0 =	sor.u32 s3, s0;
	s1 =	sshll.u32 s1, $0x11  }
0xbe: {  	s0 =	sor.u32 s1, s0  }
0xbf: {  	s0 =	sadd.s32 $0x8F2B, s0  }
0xc0: {  	[sflag:s0] =	ssyncadd.remote.s32 $0x1  }
0xc1: {  	_ =	sfence.sel $0xFFFF  }
0xc2: {  	[dreg:$0x0] =	wrdreg $0xFFFFFFFF;
	(pc) =	sbr.abs _section_cstart, $3  }
0xc3: {  	[dreg:$0x1] =	wrdreg $0xFFFFFFFF  }
0xc4: {  	_ =	task.clear_ibuf [dreg:s8], $0x2FFFF;
	_ =	strace $0x9FFFFFFF  }
0xc5: {  	(tm) =	ssettm $0x7FFFFFFF  }
tec
execute0_lowered:
.L_overlay_start_1:
0x0: {  	(tag) =	ssettag $0x1  }
0x1: {  	s0 =	rddreg [dreg:$0x0]  }
0x2: {  	s4 =	rddreg [dreg:$0x1]  }
0x3: {  	s1 =	rddreg [dreg:$0x2]  }
0x4: {  	s2 =	rddreg [dreg:$0x3]  }
0x5: {  	s3 =	simm.s32 $0x0;
	s5 =	srdreg.scid;
	s14 =	stileid.u32  }
0x6: {  	s30 =	simm.s32 $0x400;
	s31 =	simm.s32 $0x6800;
	s11 =	smul.u32 $0x7D000, s14  }
0x7: {  	[smem:$0x7FF] =	sst s3;
	s8 =	sand.u32 $0x1, s5;
	s13 =	smul.u32 $0x340000, s14  }
0x8: {  	s6 =	sadd.s32 $0x400, s0;
	s7 =	sshll.u32 s14, $0xA;
	s5 =	smul.u32 $0xD, s8  }
0x9: {  	p0 =	sgt.u32 s14, $0xC;
	s16 =	smul.u32 $0x34000, s8;
	s9 =	ssub.s32 $0x2, s8  }
0xa: {  	_ =	strace $0x80000047;
	s8 =	smul.u32 $0x3400, s8;
	s12 =	sshrl.u32 s9, $0x1  }
0xb: {  	s11 =	sshrl.u32 s11, $0x2;
	s10 =	sadd.s32 s14, s5;
	s9 =	ssub.s32 s9, s12  }
0xc: {  	s0 =	sor.u32 s7, s16;
	s11 =	sadd.s32 s11, s2;
	s18 =	sor.u32 s8, s13  }
0xd: {  	s13 =	simm.s32 $0x9;
	s10 =	smul.u32 $0x3E80, s10;
	s17 =	sshrl.u32 s0, $0x3  }
0xe: {  	s0 =	sadd.s32 $0x4000, s0;
	s19 =	sshrl.u32 s18, $0x3;
	s8 =	sadd.s32 $0x1A000, s18  }
0xf: {  	s22 =	sadd.s32 $0x3000, s18;
	s23 =	sadd.s32 $0x2F5000, s18;
	s29 =	smax.u32 s9, $0x1  }
0x10: {  	s18 =	simm.s32 $0x19E40;
	s9 =	simm.s32 $0xC;
	s12 =	sadd.s32 s6, s17  }
0x11: {  	s0 =	sshrl.u32 s0, $0x3;
	s20 =	sadd.s32 s1, s19;
	s21 =	sshrl.u32 s8, $0x3  }
0x12: {  	s24 =	sshrl.u32 s22, $0x3;
	[dreg:$0xe] =	wrdreg s29;
	s19 =	simm.s32 $0x1AE40  }
0x13: {  	s22 =	simm.s32 $0x4;
	s8 =	simm.s32 $0xB;
	[dreg:$0x5] =	wrdreg s12  }
0x14: {  	s4 =	sadd.s32 s4, s10;
	s0 =	sadd.s32 s6, s0;
	[dreg:$0x8] =	wrdreg s20  }
0x15: {  	s25 =	sadd.s32 $0x6800, s20;
	s20 =	simm.s32 $0x1EE40;
	[dreg:$0x6] =	wrdreg s4  }
0x16: {  	s10 =	simm.s32 $0xD;
	s12 =	simm.s32 $0xE;
	[dreg:$0x7] =	wrdreg s0  }
0x17: {  	s0 =	sadd.s32 s1, s21;
	[dreg:$0xa] =	wrdreg s25;
	s4 =	sadd.s32 s1, s24  }
0x18: {  	[dreg:$0x9] =	wrdreg s0;
	s0 =	sshrl.u32 s23, $0x3;
	s26 =	sadd.s32 $0x61800, s4  }
.Ltmp0:
0x19: {  	s0 =	sadd.s32 s1, s0;
	[dreg:$0xc] =	wrdreg s26;
	(pc) =	sbr.rel .LBB2_1-.Ltmp0, $4  }
0x1a: {  	s28 =	sadd.s32 $0x64C00, s4;
	[dreg:$0xb] =	wrdreg s0;
	s0 =	sshll.u32 @!p0 s14, $0x6  }
0x1b: {  	s23 =	simm.s32 $0x20;
	[dreg:$0xd] =	wrdreg s28;
	s0 =	sor.u32 @!p0 $0x1C0F, s0  }
0x1c: {  	s4 =	simm.s32 $0x3;
	[dreg:$0xf] =	wrdreg s0;
	s0 =	sshrl.u32 @!p0 s11, $0x3  }
0x1d: {  	s14 =	simm.s32 $0xA;
	s11 =	simm.s32 $0x0;
	[dreg:$0x10] =	wrdreg s0  }
.LBB2_6:
0x1e: {  	s0 =	simm.s32 $0x8  }
0x1f: {  	_ =	swait.ge [sflag:s0], $0x1000  }
0x20: {  	[sflag:s0] =	ssyncset.done $0x0  }
0x21: {  	s20 =	simm.s32 $0x1EE40;
	s25 =	rddreg [dreg:$0xb];
	[sflag:s0] =	ssyncadd.s32 $0xFFFFF000  }
0x22: {  	[hbm4b:s25+s30] =	stream.strided.scatter [tilespmem:s20], [sflag:$0xE], $0x1000, s31, s30, $0x38;
	[tilespmem:$0x1FE40] =	vst v63  }
0x23: {  	_ =	swait.ge [sflag:s4], $0x1000  }
0x24: {  	[sflag:s4] =	ssyncset.done $0x0  }
0x25: {  	s18 =	simm.s32 $0x19E40;
	s26 =	rddreg [dreg:$0xc];
	[sflag:s4] =	ssyncadd.s32 $0xFFFFF000  }
0x26: {  	[hbm4b:s26+s30] =	stream.strided.scatter [tilespmem:s18], [sflag:$0x9], $0x1000, s31, s30, $0x38;
	[tilespmem:$0x1FE40] =	vst v63  }
0x27: {  	_ =	swait.ge [sflag:s22], $0x1000  }
0x28: {  	[sflag:s22] =	ssyncset.done $0x0  }
0x29: {  	s19 =	simm.s32 $0x1AE40;
	s28 =	rddreg [dreg:$0xd];
	[sflag:s22] =	ssyncadd.s32 $0xFFFFF000  }
0x2a: {  	[hbm4b:s28+s30] =	stream.strided.scatter [tilespmem:s19], [sflag:$0xA], $0x1000, s31, s30, $0x38;
	[tilespmem:$0x1FE40] =	vst v63  }
0x2b: {  	_ =	swait.ge [sflag:s8], $0x1000  }
0x2c: {  	[sflag:s8] =	ssyncset.done $0x0  }
0x2d: {  	[sflag:s8] =	ssyncadd.s32 $0xFFFFF000  }
0x2e: {  	_ =	swait.ge [sflag:s9], $0x1000  }
0x2f: {  	[sflag:s9] =	ssyncset.done $0x0  }
0x30: {  	[sflag:s9] =	ssyncadd.s32 $0xFFFFF000  }
0x31: {  	_ =	swait.ge [sflag:s10], $0x1000  }
0x32: {  	[sflag:s10] =	ssyncset.done $0x0  }
0x33: {  	[sflag:s10] =	ssyncadd.s32 $0xFFFFF000  }
0x34: {  	_ =	swait.ge [sflag:s12], $0x1000  }
0x35: {  	[sflag:s12] =	ssyncset.done $0x0  }
0x36: {  	[sflag:s12] =	ssyncadd.s32 $0xFFFFF000  }
0x37: {  	_ =	swait.ge [sflag:s13], $0x1000  }
0x38: {  	[sflag:s13] =	ssyncset.done $0x0  }
0x39: {  	[sflag:s13] =	ssyncadd.s32 $0xFFFFF000  }
0x3a: {  	_ =	swait.ge [sflag:s14], $0x1000  }
0x3b: {  	s11 =	sadd.s32 $0x1, s11;
	s29 =	rddreg [dreg:$0xe]  }
0x3c: {  	p1 =	sne.s32 s11, s29  }
.Ltmp1:
0x3d: {  	_ = 	snop;
	(pc) =	sbr.rel @!p1 .LBB2_7-.Ltmp1, $3  }
0x3e: {  	_ =	sdelay $0x1  }
0x3f: {  	[sflag:s14] =	ssyncset.done $0x0  }
0x40: {  	[sflag:s14] =	ssyncadd.s32 $0xFFFFF000  }
.LBB2_1:
0x41: {  	s0 =	rddreg [dreg:$0x5]  }
0x42: {  	s15 =	rddreg [dreg:$0xf]  }
0x43: {  	s16 =	simm.s32 $0x19640;
	s17 =	rddreg [dreg:$0x10]  }
0x44: {  	[tilespmem:s16], [sflag:$0x1] =	stream.linear.gather [hbm4b:s0+s3], $0x400, $0x38;
	[tilespmem:$0x1FE40] =	vst v63  }
0x45: {  	s0 =	rddreg [dreg:$0x6]  }
0x46: {  	[spmem:s17], [sflag:s15] =	dma.local @!p0 [hbm:s0], $0x3E80  }
0x47: {  	s15 =	simm.s32 @!p0 $0xF  }
0x48: {  	_ =	swait.ge @!p0 [sflag:s15], $0x3E80  }
0x49: {  	[sflag:s15] =	ssyncset.done @!p0 $0x0  }
0x4a: {  	[sflag:s15] =	ssyncadd.s32 @!p0 $0xFFFFC180  }
0x4b: {  	s21 =	simm.s32 $0x1;
	[bflag:$0x0] =	sbarrier.arrive $0xFFFF  }
0x4c: {  	_ =	swait.ge [sflag:s21], $0x400  }
0x4d: {  	[sflag:s21] =	ssyncset.done $0x0  }
0x4e: {  	s25 =	simm.s32 $0x19A40;
	s24 =	rddreg [dreg:$0x7];
	[sflag:s21] =	ssyncadd.s32 $0xFFFFFC00  }
0x4f: {  	[tilespmem:s25], [sflag:$0x2] =	stream.linear.gather [hbm4b:s24+s3], $0x400, $0x38;
	[tilespmem:$0x1FE40] =	vst v63  }
0x50: {  	_ = 	snop  }
0x51: {  	[tilespmem:s18], [sflag:$0x3] =	stream.indirect.gather [spmem:s2], $0x80, s16, s23, $0xb8;
	[tilespmem:$0x1FE40] =	vst v63  }
0x52: {  	s26 =	simm.s32 $0x19660  }
0x53: {  	[tilespmem:s19], [sflag:$0x4] =	stream.indirect.gather [spmem:s2], $0x80, s26, s23, $0xb8;
	[tilespmem:$0x1FE40] =	vst v63  }
0x54: {  	s28 =	simm.s32 $0x19680;
	s29 =	simm.s32 $0x1BE40  }
0x55: {  	[tilespmem:s29], [sflag:$0x5] =	stream.indirect.gather [spmem:s2], $0x80, s28, s23, $0xb8;
	[tilespmem:$0x1FE40] =	vst v63  }
0x56: {  	_ =	swait.ge [sflag:s4], $0x1000  }
0x57: {  	[sflag:s4] =	ssyncset.done $0x0  }
0x58: {  	s16 =	rddreg [dreg:$0x8];
	[sflag:s4] =	ssyncadd.s32 $0xFFFFF000  }
0x59: {  	[hbm4b:s16+s30] =	stream.strided.scatter [tilespmem:s18], [sflag:$0x9], $0x1000, s31, s30, $0x38;
	[tilespmem:$0x1FE40] =	vst v63  }
0x5a: {  	s17 =	simm.s32 $0x196A0;
	s18 =	simm.s32 $0x1CE40  }
0x5b: {  	[tilespmem:s18], [sflag:$0x6] =	stream.indirect.gather [spmem:s2], $0x80, s17, s23, $0xb8;
	[tilespmem:$0x1FE40] =	vst v63  }
0x5c: {  	_ =	swait.ge [sflag:s22], $0x1000  }
0x5d: {  	[sflag:s22] =	ssyncset.done $0x0  }
0x5e: {  	s21 =	rddreg [dreg:$0x9];
	[sflag:s22] =	ssyncadd.s32 $0xFFFFF000  }
0x5f: {  	[hbm4b:s21+s30] =	stream.strided.scatter [tilespmem:s19], [sflag:$0xA], $0x1000, s31, s30, $0x38;
	[tilespmem:$0x1FE40] =	vst v63  }
0x60: {  	s24 =	simm.s32 $0x196C0;
	s25 =	simm.s32 $0x1DE40;
	s26 =	simm.s32 $0x5  }
0x61: {  	[tilespmem:s25], [sflag:$0x7] =	stream.indirect.gather [spmem:s2], $0x80, s24, s23, $0xb8;
	[tilespmem:$0x1FE40] =	vst v63  }
0x62: {  	_ =	swait.ge [sflag:s26], $0x1000  }
.Ltmp2:
0x63: {  	[sflag:s26] =	ssyncset.done $0x0;
	(pc) =	sbr.rel .LBB2_2-.Ltmp2, $4  }
0x64: {  	s15 =	simm.s32 $0x7;
	s28 =	rddreg [dreg:$0xa];
	[sflag:s26] =	ssyncadd.s32 $0xFFFFF000  }
0x65: {  	[hbm4b:s28+s30] =	stream.strided.scatter [tilespmem:s29], [sflag:$0xB], $0x1000, s31, s30, $0x38;
	[tilespmem:$0x1FE40] =	vst v63  }
0x66: {  	s16 =	simm.s32 $0x3;
	s18 =	simm.s32 $0xE0;
	s29 =	simm.s32 $0x196E0  }
0x67: {  	[tilespmem:s20], [sflag:$0x8] =	stream.indirect.gather [spmem:s2], $0x80, s29, s23, $0xb8;
	[tilespmem:$0x1FE40] =	vst v63  }
.LBB2_4:
0x68: {  	p1 =	seq.s32 s19, $0x0  }
0x69: {  	p2 =	sne.s32 @!p1 s20, $0x0  }
0x6a: {  	p1 =	por p2, p1  }
0x6b: {  	s21 =	sand.u32 @!p1 $0x1, s19  }
0x6c: {  	s21 =	sadd.s32 @!p1 $0x1, s21  }
0x6d: {  	_ =	swait.ge @!p1 [sflag:s21], $0x400  }
0x6e: {  	[sflag:s21] =	ssyncset.done @!p1 $0x0  }
0x6f: {  	[sflag:s21] =	ssyncadd.s32 @!p1 $0xFFFFFC00  }
.LBB2_5:
0x70: {  	s21 =	sadd.s32 $0xFFFFFFFA, s17  }
0x71: {  	s24 =	sshll.u32 s21, $0x10  }
0x72: {  	s24 =	sshra.s32 s24, $0x10  }
0x73: {  	s24 =	smul.u32 $0x2AAB, s24;
	_ =	sdelay $0x1  }
0x74: {  	s25 =	sshrl.u32 s24, $0x1F;
	s24 =	sshrl.u32 s24, $0x10  }
0x75: {  	s24 =	sadd.s32 s25, s24  }
0x76: {  	s24 =	smul.u32 $0x6, s24;
	_ =	sdelay $0x1  }
0x77: {  	s21 =	ssub.s32 s21, s24  }
0x78: {  	s26 =	sand.u32 $0xFFFF, s17;
	s21 =	sshll.u32 s21, $0x10  }
0x79: {  	s24 =	smul.u32 $0xAAAB, s26;
	s21 =	sshra.s32 s21, $0x10  }
0x7a: {  	p1 =	slt.s32 s21, $0x0;
	s25 =	sadd.s32 $0x6, s21  }
0x7b: {  	s28 =	sshll.u32 s19, $0xA;
	s24 =	sshrl.u32 s24, $0x12;
	s21 =	smov.u32 @p1 s25  }
0x7c: {  	s24 =	smul.u32 $0x6, s24;
	s25 =	sadd.s32 $0xFFFFFFFE, s17;
	s21 =	sadd.s32 $0x9, s21  }
0x7d: {  	s20 =	sshll.u32 s20, $0x5;
	s29 =	sshll.u32 s25, $0x10;
	_ =	swait.ge [sflag:s21], $0x1000  }
0x7e: {  	s24 =	ssub.s32 s17, s24;
	s29 =	sshra.s32 s29, $0x10;
	[sflag:s21] =	ssyncset.done $0x0  }
0x7f: {  	s17 =	sadd.s32 $0xFFFFFFFB, s17;
	s26 =	smul.u32 $0x2AAB, s29;
	[sflag:s21] =	ssyncadd.s32 $0xFFFFF000  }
0x80: {  	s21 =	sand.u32 $0xFFFF, s24;
	s24 =	sand.u32 $0x400, s28;
	s28 =	smul.u32 $0x7D000, s19  }
0x81: {  	s0 =	sshrl.u32 s26, $0x1F;
	s26 =	sshrl.u32 s26, $0x10;
	s19 =	sadd.s32 $0x19640, s24  }
0x82: {  	s0 =	sadd.s32 s0, s26;
	s26 =	sshll.u32 s21, $0xC;
	s20 =	sadd.s32 s20, s19  }
0x83: {  	s28 =	sshra.s32 s28, $0x2;
	s21 =	sadd.s32 $0x3, s21;
	s24 =	sadd.s32 $0x19E40, s26  }
0x84: {  	s26 =	sadd.s32 s28, s2;
	s0 =	smul.u32 $0x6, s0;
	s28 =	sshll.u32 s25, $0x5  }
0x85: {  	[tilespmem:s24], [sflag:s21] =	stream.indirect.gather [spmem:s26], $0x80, s20, s23, $0xb8;
	[tilespmem:$0x1FE40] =	vst v63  }
0x86: {  	s24 =	sshrl.u32 s29, $0x1A;
	s29 =	sshll.u32 s17, $0x10;
	s0 =	ssub.s32 s25, s0  }
0x87: {  	s21 =	sand.u32 $0x1F, s24;
	s24 =	sand.u32 $0x3C0, s28;
	s0 =	sshll.u32 s0, $0x10  }
0x88: {  	s21 =	sadd.s32 s21, s25;
	s24 =	sor.u32 s7, s24;
	s0 =	sshra.s32 s0, $0x10  }
0x89: {  	s25 =	sshra.s32 s29, $0x10;
	p1 =	slt.s32 s0, $0x0;
	s20 =	sadd.s32 $0x6, s0  }
0x8a: {  	s21 =	sshll.u32 s21, $0x10;
	s24 =	sshrl.u32 s24, $0x3;
	s0 =	smov.u32 @p1 s20  }
0x8b: {  	s25 =	smul.u32 $0x2AAB, s25;
	s21 =	sshra.s32 s21, $0x15;
	s20 =	sadd.s32 $0x3, s0  }
0x8c: {  	s28 =	smul.u32 $0x6800, s24;
	s21 =	sadd.s32 s21, s5;
	_ =	swait.ge [sflag:s20], $0x1000  }
0x8d: {  	s29 =	sshrl.u32 s25, $0x1F;
	s21 =	sshll.u32 s21, $0xA;
	[sflag:s20] =	ssyncset.done $0x0  }
0x8e: {  	s25 =	sshrl.u32 s25, $0x10;
	[sflag:s20] =	ssyncadd.s32 $0xFFFFF000;
	s20 =	sadd.s32 s21, s28  }
0x8f: {  	s28 =	sadd.s32 s29, s25;
	s29 =	sshll.u32 s0, $0xE;
	s0 =	sadd.s32 $0x9, s0  }
0x90: {  	s25 =	smul.u32 $0xAAAB, s15;
	s24 =	sshra.s32 s29, $0x2;
	s20 =	sshrl.u32 s20, $0x3  }
0x91: {  	s21 =	smul.u32 $0x6, s28;
	s24 =	sadd.s32 $0x19E40, s24;
	s20 =	sadd.s32 s1, s20  }
0x92: {  	[hbm4b:s20+s30] =	stream.strided.scatter [tilespmem:s24], [sflag:s0], $0x1000, s31, s30, $0x38;
	[tilespmem:$0x1FE40] =	vst v63  }
0x93: {  	s24 =	ssub.s32 s17, s21  }
0x94: {  	s17 =	sshrl.u32 s25, $0x12;
	s0 =	sshll.u32 s24, $0x10  }
0x95: {  	s17 =	smul.u32 $0x6, s17;
	s0 =	sshra.s32 s0, $0x10  }
0x96: {  	p1 =	slt.s32 s0, $0x0  }
0x97: {  	s20 =	sadd.s32 $0x6, s0;
	s17 =	ssub.s32 s15, s17;
	s15 =	sadd.s32 $0x2, s15  }
0x98: {  	s16 =	sadd.s32 $0x1, s16;
	s0 =	smov.u32 @p1 s20;
	p1 =	sne.s32 s15, $0x1A1  }
.Ltmp3:
0x99: {  	s28 =	sand.u32 $0x3E0, s18;
	s0 =	sadd.s32 $0x9, s0;
	(pc) =	sbr.rel @!p1 .LBB2_6-.Ltmp3, $4  }
0x9a: {  	s18 =	sadd.s32 $0x40, s18;
	s17 =	sand.u32 $0xFFFF, s17;
	_ =	swait.ge [sflag:s0], $0x1000  }
0x9b: {  	s29 =	sshll.u32 s17, $0xC;
	s17 =	sadd.s32 $0x3, s17;
	[sflag:s0] =	ssyncset.done $0x0  }
0x9c: {  	s20 =	sadd.s32 $0x19E40, s29;
	[sflag:s0] =	ssyncadd.s32 $0xFFFFF000;
	s0 =	sadd.s32 s28, s19  }
0x9d: {  	[tilespmem:s20], [sflag:s17] =	stream.indirect.gather [spmem:s26], $0x80, s0, s23, $0xb8;
	[tilespmem:$0x1FE40] =	vst v63  }
.LBB2_2:
0x9e: {  	s20 =	sadd.s32 $0xFFFFFFFC, s15  }
0x9f: {  	s17 =	smul.u32 $0x2AAB, s20;
	_ =	sdelay $0x1  }
0xa0: {  	s19 =	sshrl.u32 s17, $0x1F;
	s17 =	sshrl.u32 s17, $0x10  }
0xa1: {  	s17 =	sadd.s32 s19, s17  }
0xa2: {  	s29 =	sshll.u32 s20, $0x10;
	s17 =	smul.u32 $0x6, s17  }
0xa3: {  	s29 =	sshra.s32 s29, $0x1F  }
0xa4: {  	s24 =	sadd.s32 $0xFFFFFF80, s18;
	s29 =	sand.u32 $0x1F, s29;
	s17 =	ssub.s32 s20, s17  }
0xa5: {  	s28 =	sand.u32 $0x3E0, s24;
	s0 =	sadd.s32 s29, s20;
	s26 =	sshll.u32 s17, $0x10  }
0xa6: {  	s19 =	sshrl.u32 s16, $0x4;
	s24 =	sshll.u32 s0, $0x10;
	s25 =	sshra.s32 s26, $0x10  }
0xa7: {  	s24 =	sshra.s32 s24, $0x15;
	p1 =	slt.s32 s25, $0x0;
	s21 =	sadd.s32 $0x6, s25  }
0xa8: {  	s20 =	sshra.s32 s20, $0x1F;
	s25 =	smov.u32 @p1 s21;
	s21 =	sor.u32 s7, s28  }
0xa9: {  	s17 =	sadd.s32 $0xFFFFFFFF, s15;
	s20 =	sadd.s32 s5, s20;
	s21 =	sshrl.u32 s21, $0x3  }
0xaa: {  	s24 =	sadd.s32 s24, s20;
	s20 =	sand.u32 $0x1E, s17;
	s21 =	smul.u32 $0x6800, s21  }
0xab: {  	s24 =	sshll.u32 s24, $0xA;
	s26 =	sadd.s32 $0x3, s25;
	s28 =	sshll.u32 s25, $0xE  }
0xac: {  	s25 =	sadd.s32 $0x9, s25;
	_ =	swait.ge [sflag:s26], $0x1000;
	s21 =	sadd.s32 s21, s24  }
0xad: {  	[sflag:s26] =	ssyncset.done $0x0;
	s24 =	sshra.s32 s28, $0x2;
	s21 =	sshrl.u32 s21, $0x3  }
0xae: {  	[sflag:s26] =	ssyncadd.s32 $0xFFFFF000;
	s24 =	sadd.s32 $0x19E40, s24;
	s21 =	sadd.s32 s1, s21  }
0xaf: {  	[hbm4b:s21+s30] =	stream.strided.scatter [tilespmem:s24], [sflag:s25], $0x1000, s31, s30, $0x38;
	[tilespmem:$0x1FE40] =	vst v63  }
0xb0: {  	p1 =	sne.s32 s20, $0x2;
	s21 =	sadd.s32 $0xFFFFFFFF, s19  }
0xb1: {  	p2 =	sgt.u32 @!p1 s21, $0xA  }
0xb2: {  	p1 =	por p1, p2  }
.Ltmp4:
0xb3: {  	_ = 	snop;
	(pc) =	sbr.rel @p1 .LBB2_4-.Ltmp4, $1  }
0xb4: {  	_ =	sdelay $0x3  }
0xb5: {  	s21 =	sadd.s32 $0x1, s19  }
0xb6: {  	s24 =	sadd.s32 s5, s21  }
.Ltmp5:
0xb7: {  	s24 =	sshll.u32 s24, $0xE;
	(pc) =	sbr.rel .LBB2_5-.Ltmp5, $4  }
0xb8: {  	s21 =	sand.u32 $0x1, s21;
	s24 =	sor.u32 s7, s24  }
0xb9: {  	s25 =	sshll.u32 s21, $0xA;
	s24 =	sshrl.u32 s24, $0x3  }
0xba: {  	s21 =	sadd.s32 $0x1, s21;
	s25 =	sadd.s32 $0x19640, s25;
	s24 =	sadd.s32 s6, s24  }
0xbb: {  	[tilespmem:s25], [sflag:s21] =	stream.linear.gather [hbm4b:s24+s3], $0x400, $0x38;
	[tilespmem:$0x1FE40] =	vst v63  }
.LBB2_7:
0xbc: {  	_ =	sfence.sel $0x180000  }
0xbd: {  	[bflag:$0x0] =	sbarrier.arrive $0xFFFF  }
0xbe: {  	_ =	strace $0x90000047  }
0xbf: {  	s0 =	stileid.u32;
	[bflag:$0x2] =	sbarrier.arrive $0xFFFF  }
0xc0: {  	p0 =	sne.s32 s0, $0x0;
	s0 =	rddreg [dreg:$0x4]  }
0xc1: {  	s0 =	sadd.s32 @!p0 $0x100000, s0  }
0xc2: {  	[sflag:s0] =	ssyncadd.tile.s32 @!p0 $0x1;
	_ =	shalt  }
.Lfunc_end2:
_tile_overlayer_lowered:
.L_overlay_start_2:
0xc3: {  	(tag) =	ssettag $0x2  }
0xc4: {  	s0 =	rddreg [dreg:$0x0];
	s2 =	stileid.u32  }
0xc5: {  	s1 =	rddreg [dreg:$0x1];
	p0 =	sne.s32 s2, $0x0  }
0xc6: {  	s3 =	rddreg [dreg:$0x2];
	[bflag:$0x3] =	sbarrier.arrive $0xFFFF;
	s2 =	simm.s32 @!p0 $0x1C0F  }
0xc7: {  	[timem:s3], [sflag:s2] =	dma.local @!p0 [hbm:s0], s1  }
0xc8: {  	s0 =	simm.s32 @!p0 $0xF  }
0xc9: {  	_ =	swait.ge @!p0 [sflag:s0], s1  }
0xca: {  	s1 =	ssub.s32 @!p0 $0x0, s1;
	[sflag:s0] =	ssyncset.done @!p0 $0x0  }
0xcb: {  	[sflag:s0] =	ssyncadd.s32 @!p0 s1  }
0xcc: {  	[bflag:$0x3] =	sbarrier.arrive $0xFFFF  }
0xcd: {  	_ =	shalt  }

</sc_bundles>
